<compile_context>
chip_gen: v7x
topology: tpu7x:2x2x1
jax: 0.10.2.dev20260603
libtpu: 0.0.44.dev20260713+nightly
codegen_flags: <defaults>
</compile_context>

<pallas_src>
import functools

import jax
import jax.numpy as jnp
from jax import lax
from jax.experimental import pallas as pl
from jax.experimental.pallas import tpu as pltpu
from jax.experimental.pallas import tpu_sc as plsc

NODE_D = 128
EDGE_D = 16
HID = 128

SC_CORES = 2
SC_SUBCORES = 16
SC_WORKERS = SC_CORES * SC_SUBCORES
G_CHUNK = 400


def _sc_gather_body(p_hbm, q_hbm, ridx_hbm, sidx_hbm, g_hbm,
                    idx_r, idx_s, rows_a, rows_b, sem_a, sem_b):
    wid = lax.axis_index("s") * SC_CORES + lax.axis_index("c")
    edges_per_w = g_hbm.shape[0] // SC_WORKERS
    nchunk = edges_per_w // G_CHUNK
    base = wid * edges_per_w

    def chunk(i, carry):
        off = base + i * G_CHUNK
        pltpu.sync_copy(ridx_hbm.at[pl.ds(off, G_CHUNK)], idx_r)
        cp_a = pltpu.async_copy(p_hbm.at[idx_r], rows_a, sem_a)
        pltpu.sync_copy(sidx_hbm.at[pl.ds(off, G_CHUNK)], idx_s)
        cp_b = pltpu.async_copy(q_hbm.at[idx_s], rows_b, sem_b)
        cp_a.wait()
        cp_b.wait()

        def addrow(j, c):
            for k in range(HID // 16):
                sl = pl.ds(k * 16, 16)
                rows_a[j, sl] = rows_a[j, sl] + rows_b[j, sl]
            return c

        lax.fori_loop(0, G_CHUNK, addrow, 0)
        pltpu.sync_copy(rows_a, g_hbm.at[pl.ds(off, G_CHUNK)])
        return carry

    lax.fori_loop(0, nchunk, chunk, 0)


def _sc_gather(p, q, r_off, s_off):
    be = r_off.shape[0]
    mesh = plsc.VectorSubcoreMesh(core_axis_name="c", subcore_axis_name="s",
                                  num_cores=SC_CORES, num_subcores=SC_SUBCORES)
    f = pl.kernel(
        _sc_gather_body,
        out_type=jax.ShapeDtypeStruct((be, HID), jnp.float32),
        mesh=mesh,
        scratch_types=[
            pltpu.VMEM((G_CHUNK,), jnp.int32),
            pltpu.VMEM((G_CHUNK,), jnp.int32),
            pltpu.VMEM((G_CHUNK, HID), jnp.float32),
            pltpu.VMEM((G_CHUNK, HID), jnp.float32),
            pltpu.SemaphoreType.DMA,
            pltpu.SemaphoreType.DMA,
        ],
    )
    return f(p, q, r_off, s_off)


def _proj_body(nodes_ref, wr_ref, ws_ref, p_ref, q_ref):
    x = nodes_ref[...]
    p_ref[...] = jnp.dot(x, wr_ref[...], preferred_element_type=jnp.float32)
    q_ref[...] = jnp.dot(x, ws_ref[...], preferred_element_type=jnp.float32)


def _node_proj(flat_nodes, w_recv, w_send):
    bn = flat_nodes.shape[0]
    blk = 2000
    grid = (bn // blk,)
    return pl.pallas_call(
        _proj_body,
        grid=grid,
        in_specs=[
            pl.BlockSpec((blk, NODE_D), lambda i: (i, 0)),
            pl.BlockSpec((NODE_D, HID), lambda i: (0, 0)),
            pl.BlockSpec((NODE_D, HID), lambda i: (0, 0)),
        ],
        out_specs=[
            pl.BlockSpec((blk, HID), lambda i: (i, 0)),
            pl.BlockSpec((blk, HID), lambda i: (i, 0)),
        ],
        out_shape=[
            jax.ShapeDtypeStruct((bn, HID), jnp.float32),
            jax.ShapeDtypeStruct((bn, HID), jnp.float32),
        ],
    )(flat_nodes, w_recv, w_send)


def _edge_body(g_ref, e_ref, we_ref, bin_ref, wout_ref, bout_ref,
               wedge_ref, bedge_ref, ne_ref, eo_ref):
    h = g_ref[...] + jnp.dot(e_ref[...], we_ref[...],
                             preferred_element_type=jnp.float32) + bin_ref[...]
    h = jnp.maximum(h, 0.0)
    ne = jnp.dot(h, wout_ref[...], preferred_element_type=jnp.float32) + bout_ref[...]
    ne = jnp.maximum(ne, 0.0)
    ne_ref[...] = ne
    eo = jnp.dot(ne, wedge_ref[...], preferred_element_type=jnp.float32) + bedge_ref[...]
    eo_ref[...] = jnp.maximum(eo, 0.0)


def _edge_dense(g, flat_edges, w_edge_in, b_in, w_out, b_out, w_edge, b_edge):
    be = g.shape[0]
    blk = 2000
    grid = (be // blk,)
    return pl.pallas_call(
        _edge_body,
        grid=grid,
        in_specs=[
            pl.BlockSpec((blk, HID), lambda i: (i, 0)),
            pl.BlockSpec((blk, EDGE_D), lambda i: (i, 0)),
            pl.BlockSpec((EDGE_D, HID), lambda i: (0, 0)),
            pl.BlockSpec((1, HID), lambda i: (0, 0)),
            pl.BlockSpec((HID, NODE_D), lambda i: (0, 0)),
            pl.BlockSpec((1, NODE_D), lambda i: (0, 0)),
            pl.BlockSpec((HID, EDGE_D), lambda i: (0, 0)),
            pl.BlockSpec((1, EDGE_D), lambda i: (0, 0)),
        ],
        out_specs=[
            pl.BlockSpec((blk, NODE_D), lambda i: (i, 0)),
            pl.BlockSpec((blk, EDGE_D), lambda i: (i, 0)),
        ],
        out_shape=[
            jax.ShapeDtypeStruct((be, NODE_D), jnp.float32),
            jax.ShapeDtypeStruct((be, EDGE_D), jnp.float32),
        ],
    )(g, flat_edges, w_edge_in, b_in[None, :], w_out, b_out[None, :],
      w_edge, b_edge[None, :])


D_CHUNK = 160
D_HALF = 80
TRASH = 96
N_HALF = 10000
TBL = N_HALF + 240
ZSTRIPE = TBL // SC_SUBCORES
DRAIN_BLK = 400


def _sc_segsum_body(ne_hbm, lidx_hbm, seq_hbm, z_hbm, sums_hbm,
                    idxA, idxB, neA, neB, z128, gsem, table_sh):
    c = lax.axis_index("c")
    t = lax.axis_index("s")
    be = ne_hbm.shape[0]
    edges_per_t = be // SC_SUBCORES
    nchunk = edges_per_t // D_CHUNK
    nblocks = N_HALF // DRAIN_BLK
    zbase = t * ZSTRIPE
    cbase = c * be
    nbase = c * N_HALF

    pltpu.sync_copy(z_hbm, z128)

    def zchunk(k, carry):
        pltpu.sync_copy(seq_hbm.at[pl.ds(zbase + k * D_HALF, D_HALF)], idxA)
        pltpu.sync_copy(z128, table_sh.at[idxA])
        return carry
    lax.fori_loop(0, ZSTRIPE // D_HALF, zchunk, 0)
    plsc.subcore_barrier()

    def chunk(i, carry):
        ii = lax.rem(i + c * (nchunk // 2), nchunk)
        off = pl.multiple_of(t * edges_per_t + ii * D_CHUNK, 8)
        pltpu.sync_copy(lidx_hbm.at[pl.ds(cbase + off, D_HALF)], idxA)
        pltpu.sync_copy(lidx_hbm.at[pl.ds(cbase + off + D_HALF, D_HALF)], idxB)
        pltpu.sync_copy(ne_hbm.at[pl.ds(off, D_HALF)], neA)
        pltpu.sync_copy(ne_hbm.at[pl.ds(off + D_HALF, D_HALF)], neB)
        pltpu.sync_copy(neA, table_sh.at[idxA], add=True)
        pltpu.sync_copy(neB, table_sh.at[idxB], add=True)
        return carry
    lax.fori_loop(0, nchunk, chunk, 0)
    plsc.subcore_barrier()

    for dd in range(2):
        d = dd * SC_SUBCORES + t

        @pl.when(d < nblocks)
        def _():
            def sub(k, carry):
                s0 = pl.multiple_of(d * DRAIN_BLK + k * D_HALF, 8)
                pltpu.sync_copy(seq_hbm.at[pl.ds(s0, D_HALF)], idxA)
                pltpu.async_copy(table_sh.at[idxA], neA, gsem).wait()
                pltpu.sync_copy(neA, sums_hbm.at[pl.ds(nbase + s0, D_HALF)])
                return carry
            lax.fori_loop(0, DRAIN_BLK // D_HALF, sub, 0)


def _sc_segsum(ne, lidx, seq, zeros, bn):
    mesh = plsc.VectorSubcoreMesh(core_axis_name="c", subcore_axis_name="s",
                                  num_cores=SC_CORES, num_subcores=SC_SUBCORES)
    f = pl.kernel(
        _sc_segsum_body,
        out_type=jax.ShapeDtypeStruct((bn, HID), jnp.float32),
        mesh=mesh,
        scratch_types=[
            pltpu.VMEM((D_HALF,), jnp.int32),
            pltpu.VMEM((D_HALF,), jnp.int32),
            pltpu.VMEM((D_HALF, HID), jnp.float32),
            pltpu.VMEM((D_HALF, HID), jnp.float32),
            pltpu.VMEM((D_HALF, HID), jnp.float32),
            pltpu.SemaphoreType.DMA,
            pltpu.VMEM_SHARED((TBL, HID), jnp.float32),
        ],
    )
    return f(ne, lidx, seq, zeros)


def _mean_body(s_ref, c_ref, o_ref):
    o_ref[...] = s_ref[...] / jnp.maximum(c_ref[...][:, :1], 1.0)


def _mean_merge(sums, cnt8):
    bn = sums.shape[0]
    blk = 2000
    return pl.pallas_call(
        _mean_body,
        grid=(bn // blk,),
        in_specs=[
            pl.BlockSpec((blk, HID), lambda i: (i, 0)),
            pl.BlockSpec((blk, 8), lambda i: (i, 0)),
        ],
        out_specs=pl.BlockSpec((blk, HID), lambda i: (i, 0)),
        out_shape=jax.ShapeDtypeStruct((bn, HID), jnp.float32),
    )(sums, cnt8)


def kernel(nodes, edges, senders, receivers, W_in, b_in, W_out, b_out, W_edge, b_edge):
    b, n, d_node = nodes.shape
    e = edges.shape[1]
    d_edge = edges.shape[2]

    s = jnp.reshape(senders, (b * e,))
    r = jnp.reshape(receivers, (b * e,))
    offsets = jnp.reshape(
        jnp.tile((jnp.arange(b, dtype=s.dtype) * n)[:, None], (1, e)), (-1,))
    s_off = jnp.where(s != -1, s + offsets, s)
    r_off = jnp.where(r != -1, r + offsets, r)

    flat_nodes = jnp.reshape(nodes, (b * n, d_node))
    flat_edges = jnp.reshape(edges, (b * e, d_edge))

    w_recv = W_in[:NODE_D]
    w_edge_in = W_in[NODE_D:NODE_D + EDGE_D]
    w_send = W_in[NODE_D + EDGE_D:]

    p, q = _node_proj(flat_nodes, w_recv, w_send)
    g = _sc_gather(p, q, r_off, s_off)

    new_edges, edges_out = _edge_dense(
        g, flat_edges, w_edge_in, b_in, W_out, b_out, W_edge, b_edge)

    eidx = jnp.arange(b * e, dtype=jnp.int32)
    trash = N_HALF + (eidx % TRASH)
    parts = []
    for cc in range(2):
        lv = r_off - cc * N_HALF
        inb = (lv >= 0) & (lv < N_HALF)
        parts.append(jnp.where(inb, lv, trash))
    lidx = jnp.concatenate(parts)
    seq = jnp.arange(TBL, dtype=jnp.int32)
    zeros = jnp.zeros((D_HALF, HID), jnp.float32)

    sums = _sc_segsum(new_edges, lidx, seq, zeros, b * n)
    cnt = jax.ops.segment_sum(jnp.ones((b * e,), jnp.float32), r_off,
                              num_segments=b * n)
    cnt8 = jnp.broadcast_to(cnt[:, None], (b * n, 8))
    new_nodes = _mean_merge(sums, cnt8)

    return (jnp.reshape(new_nodes, (b, n, d_node)),
            jnp.reshape(edges_out, (b, e, d_edge)),
            s, r)

# --- scband reference (transcript-rebuilt; emitter-appended) ---
"""Pipeline reference for scband-graph-conv-v2-72499047956927 (READ-ONLY COPY).

The authoritative reference and input builder live on the scoring server;
editing this copy changes nothing except your own understanding.
"""

import jax, jax.numpy as jnp
import numpy as np

NODE_SHAPE = 128
EDGE_SHAPE = 16
INPUT_UNITS = 128
B, N, E = 2, 10000, 160000


def setup_inputs(seed: int = 0) -> dict:
    key = jax.random.key(seed)
    ks = jax.random.split(key, 8)
    nodes = jax.random.normal(ks[0], (B, N, NODE_SHAPE), dtype=jnp.float32)
    edges = jax.random.normal(ks[1], (B, E, EDGE_SHAPE), dtype=jnp.float32)
    senders = jax.random.randint(ks[2], (B, E), 0, N, dtype=jnp.int32)
    receivers = jax.random.randint(ks[3], (B, E), 0, N, dtype=jnp.int32)
    concat_dim = NODE_SHAPE + EDGE_SHAPE + NODE_SHAPE  # receiver feats + edge feats + sender feats
    W_in = jax.random.normal(ks[4], (concat_dim, INPUT_UNITS), dtype=jnp.float32) / np.sqrt(concat_dim)
    b_in = jnp.zeros((INPUT_UNITS,), dtype=jnp.float32)
    W_out = jax.random.normal(ks[5], (INPUT_UNITS, NODE_SHAPE), dtype=jnp.float32) / np.sqrt(INPUT_UNITS)
    b_out = jnp.zeros((NODE_SHAPE,), dtype=jnp.float32)
    W_edge = jax.random.normal(ks[6], (NODE_SHAPE, EDGE_SHAPE), dtype=jnp.float32) / np.sqrt(NODE_SHAPE)
    b_edge = jnp.zeros((EDGE_SHAPE,), dtype=jnp.float32)
    return {"nodes": nodes, "edges": edges, "senders": senders, "receivers": receivers,
            "W_in": W_in, "b_in": b_in, "W_out": W_out, "b_out": b_out,
            "W_edge": W_edge, "b_edge": b_edge}


def reference(nodes, edges, senders, receivers, W_in, b_in, W_out, b_out, W_edge, b_edge):
    b, n, d_node = nodes.shape
    e = edges.shape[1]
    # per-graph node offsets, tiled per edge (matches tf.tile + reshape)
    offsets = jnp.reshape(jnp.tile((jnp.arange(b, dtype=senders.dtype) * n)[:, None], (1, e)), (-1,))
    s = jnp.reshape(senders, (b * e,))
    r = jnp.reshape(receivers, (b * e,))
    s_off = jnp.where(s != -1, s + offsets, s)
    r_off = jnp.where(r != -1, r + offsets, r)
    flat_nodes = jnp.reshape(nodes, (b * n, d_node))
    flat_edges = jnp.reshape(edges, (b * e, edges.shape[2]))
    # broadcast receiver/sender node features to edges (gathers)
    recv_feats = jnp.take(flat_nodes, r_off, axis=0)
    send_feats = jnp.take(flat_nodes, s_off, axis=0)
    h = jnp.concatenate([recv_feats, flat_edges, send_feats], axis=1)
    h = jax.nn.relu(h @ W_in + b_in)            # node_layer_in
    new_edges = jax.nn.relu(h @ W_out + b_out)  # node_layer_out -> [B*E, node_shape]
    # ReceivedEdgesToNodesAggregator with unsorted_segment_mean
    sums = jax.ops.segment_sum(new_edges, r_off, num_segments=b * n)
    cnt = jax.ops.segment_sum(jnp.ones((b * e,), dtype=jnp.float32), r_off, num_segments=b * n)
    new_nodes = sums / jnp.maximum(cnt, 1.0)[:, None]
    edges_out = jax.nn.relu(new_edges @ W_edge + b_edge)  # edge_layer -> [B*E, edge_shape]
    return (jnp.reshape(new_nodes, (b, n, d_node)),
            jnp.reshape(edges_out, (b, e, edges.shape[2])),
            s, r)

if __name__ == "__main__":
    import jax
    _d = setup_inputs()
    print(jax.jit(kernel)(*tuple(_d.values())))

</pallas_src>

<mosaic_0001>
#map = affine_map<(d0, d1) -> (0, 0)>
#map1 = affine_map<(d0, d1) -> (0)>
module attributes {stable_mosaic.version = 14 : i64} {
  func.func @_sc_gather_body(%arg0: i32, %arg1: i32, %arg2: memref<20000x128xf32, #tpu.memory_space<hbm>>, %arg3: memref<20000x128xf32, #tpu.memory_space<hbm>>, %arg4: memref<320000xi32, #tpu.memory_space<hbm>>, %arg5: memref<320000xi32, #tpu.memory_space<hbm>>, %arg6: memref<320000x128xf32, #tpu.memory_space<hbm>>, %arg7: memref<400xi32, #tpu.memory_space<vmem>>, %arg8: memref<400xi32, #tpu.memory_space<vmem>>, %arg9: memref<400x128xf32, #tpu.memory_space<vmem>>, %arg10: memref<400x128xf32, #tpu.memory_space<vmem>>, %arg11: memref<!tpu.dma_semaphore, #tpu.memory_space<semaphore_mem>>, %arg12: memref<!tpu.dma_semaphore, #tpu.memory_space<semaphore_mem>>) attributes {dimension_semantics = [#tpu.dimension_semantics<core_parallel>, #tpu.dimension_semantics<subcore_parallel>], iteration_bounds = array<i64: 2, 16>, scalar_prefetch = 0 : i64, scratch_operands = 6 : i64, tpu.core_type = #tpu.core_type<sc_vector_subcore>, window_params = [{transform_indices = #map}, {transform_indices = #map}, {transform_indices = #map1}, {transform_indices = #map1}, {transform_indices = #map}]} {
    %mul3A = arith.constant 2 : i32
    %mul3A_0 = arith.muli %arg1, %mul3A : i32
    %add3A = arith.addi %mul3A_0, %arg0 : i32
    %mul3A_1 = arith.constant 10000 : i32
    %mul3A_2 = arith.muli %add3A, %mul3A_1 : i32
    %scan3A = arith.constant 0 : i32
    %scan3A_3 = arith.constant 0 : i32
    %scan3A_4 = arith.constant 25 : i32
    %scan3A_5 = arith.addi %scan3A_3, %scan3A_4 : i32
    %scan3A_6 = arith.constant 1 : i32
    scf.for %scan3A_8 = %scan3A_3 to %scan3A_5 step %scan3A_6  : i32 {
      %mul3A_9 = arith.constant 400 : i32
      %mul3A_10 = arith.muli %scan3A_8, %mul3A_9 : i32
      %add3A_11 = arith.addi %mul3A_2, %mul3A_10 : i32
      "tpu.region"() ({
        %run_scoped3A = tpu.sem_alloc : memref<!tpu.dma_semaphore, #tpu.memory_space<semaphore_mem>>
        %dma_start3A_28 = tpu.memref_slice %arg4[%add3A_11] : memref<320000xi32, #tpu.memory_space<hbm>> -> memref<400xi32, #tpu.memory_space<hbm>>
        %dma_start3A_29 = tpu.memref_slice %arg4[%add3A_11] : memref<320000xi32, #tpu.memory_space<hbm>> -> memref<400xi32, #tpu.memory_space<hbm>>
        tpu.enqueue_dma source(%dma_start3A_29 : memref<400xi32, #tpu.memory_space<hbm>>) target(%arg7 : memref<400xi32, #tpu.memory_space<vmem>>) target_semaphore(%run_scoped3A : memref<!tpu.dma_semaphore, #tpu.memory_space<semaphore_mem>>)
        %dma_wait3A_30 = tpu.memref_slice %arg4[%add3A_11] : memref<320000xi32, #tpu.memory_space<hbm>> -> memref<400xi32, #tpu.memory_space<hbm>>
        %dma_wait3A_31 = tpu.memref_slice %arg4[%add3A_11] : memref<320000xi32, #tpu.memory_space<hbm>> -> memref<400xi32, #tpu.memory_space<hbm>>
        tpu.wait_dma2 semaphore(%run_scoped3A : memref<!tpu.dma_semaphore, #tpu.memory_space<semaphore_mem>>) src(%dma_wait3A_31 : memref<400xi32, #tpu.memory_space<hbm>>) dst(%arg7 : memref<400xi32, #tpu.memory_space<vmem>>)
        tpu.yield
      }) : () -> ()
      %dma_start3A = arith.constant 0 : i32
      %dma_start3A_12 = arith.constant 0 : i32
      %dma_start3A_13 = tpu.memref_slice %arg2[%dma_start3A, %dma_start3A_12] : memref<20000x128xf32, #tpu.memory_space<hbm>> -> memref<20000x128xf32, #tpu.memory_space<hbm>>
      tpu.enqueue_indirect_dma source(%dma_start3A_13 : memref<20000x128xf32, #tpu.memory_space<hbm>>) target(%arg9 : memref<400x128xf32, #tpu.memory_space<vmem>>) offsets(%arg7 : memref<400xi32, #tpu.memory_space<vmem>>) semaphore(%arg11 : memref<!tpu.dma_semaphore, #tpu.memory_space<semaphore_mem>>)
      "tpu.region"() ({
        %run_scoped3A = tpu.sem_alloc : memref<!tpu.dma_semaphore, #tpu.memory_space<semaphore_mem>>
        %dma_start3A_28 = tpu.memref_slice %arg5[%add3A_11] : memref<320000xi32, #tpu.memory_space<hbm>> -> memref<400xi32, #tpu.memory_space<hbm>>
        %dma_start3A_29 = tpu.memref_slice %arg5[%add3A_11] : memref<320000xi32, #tpu.memory_space<hbm>> -> memref<400xi32, #tpu.memory_space<hbm>>
        tpu.enqueue_dma source(%dma_start3A_29 : memref<400xi32, #tpu.memory_space<hbm>>) target(%arg8 : memref<400xi32, #tpu.memory_space<vmem>>) target_semaphore(%run_scoped3A : memref<!tpu.dma_semaphore, #tpu.memory_space<semaphore_mem>>)
        %dma_wait3A_30 = tpu.memref_slice %arg5[%add3A_11] : memref<320000xi32, #tpu.memory_space<hbm>> -> memref<400xi32, #tpu.memory_space<hbm>>
        %dma_wait3A_31 = tpu.memref_slice %arg5[%add3A_11] : memref<320000xi32, #tpu.memory_space<hbm>> -> memref<400xi32, #tpu.memory_space<hbm>>
        tpu.wait_dma2 semaphore(%run_scoped3A : memref<!tpu.dma_semaphore, #tpu.memory_space<semaphore_mem>>) src(%dma_wait3A_31 : memref<400xi32, #tpu.memory_space<hbm>>) dst(%arg8 : memref<400xi32, #tpu.memory_space<vmem>>)
        tpu.yield
      }) : () -> ()
      %dma_start3A_14 = arith.constant 0 : i32
      %dma_start3A_15 = arith.constant 0 : i32
      %dma_start3A_16 = tpu.memref_slice %arg3[%dma_start3A_14, %dma_start3A_15] : memref<20000x128xf32, #tpu.memory_space<hbm>> -> memref<20000x128xf32, #tpu.memory_space<hbm>>
      tpu.enqueue_indirect_dma source(%dma_start3A_16 : memref<20000x128xf32, #tpu.memory_space<hbm>>) target(%arg10 : memref<400x128xf32, #tpu.memory_space<vmem>>) offsets(%arg8 : memref<400xi32, #tpu.memory_space<vmem>>) semaphore(%arg12 : memref<!tpu.dma_semaphore, #tpu.memory_space<semaphore_mem>>)
      %dma_wait3A = arith.constant 0 : i32
      %dma_wait3A_17 = arith.constant 0 : i32
      %dma_wait3A_18 = tpu.memref_slice %arg2[%dma_wait3A, %dma_wait3A_17] : memref<20000x128xf32, #tpu.memory_space<hbm>> -> memref<20000x128xf32, #tpu.memory_space<hbm>>
      tpu.wait_indirect_dma semaphore(%arg11 : memref<!tpu.dma_semaphore, #tpu.memory_space<semaphore_mem>>) src(%dma_wait3A_18 : memref<20000x128xf32, #tpu.memory_space<hbm>>) dst(%arg9 : memref<400x128xf32, #tpu.memory_space<vmem>>)
      %dma_wait3A_19 = arith.constant 0 : i32
      %dma_wait3A_20 = arith.constant 0 : i32
      %dma_wait3A_21 = tpu.memref_slice %arg3[%dma_wait3A_19, %dma_wait3A_20] : memref<20000x128xf32, #tpu.memory_space<hbm>> -> memref<20000x128xf32, #tpu.memory_space<hbm>>
      tpu.wait_indirect_dma semaphore(%arg12 : memref<!tpu.dma_semaphore, #tpu.memory_space<semaphore_mem>>) src(%dma_wait3A_21 : memref<20000x128xf32, #tpu.memory_space<hbm>>) dst(%arg10 : memref<400x128xf32, #tpu.memory_space<vmem>>)
      %scan3A_22 = arith.constant 0 : i32
      %scan3A_23 = arith.constant 0 : i32
      %scan3A_24 = arith.constant 400 : i32
      %scan3A_25 = arith.addi %scan3A_23, %scan3A_24 : i32
      %scan3A_26 = arith.constant 1 : i32
      scf.for %scan3A_28 = %scan3A_23 to %scan3A_25 step %scan3A_26  : i32 {
        %get3A = arith.index_cast %scan3A_28 : i32 to index
        %get3A_29 = arith.constant 0 : index
        %get3A_30 = tpu.vector_load %arg9[%get3A, %get3A_29] {strides = array<i32>} : memref<400x128xf32, #tpu.memory_space<vmem>>, vector<1x16xf32>,
        %get3A_31 = vector.shape_cast %get3A_30 : vector<1x16xf32> to vector<16xf32>
        %get3A_32 = arith.index_cast %scan3A_28 : i32 to index
        %get3A_33 = arith.constant 0 : index
        %get3A_34 = tpu.vector_load %arg10[%get3A_32, %get3A_33] {strides = array<i32>} : memref<400x128xf32, #tpu.memory_space<vmem>>, vector<1x16xf32>,
        %get3A_35 = vector.shape_cast %get3A_34 : vector<1x16xf32> to vector<16xf32>
        %add3A_36 = arith.addf %get3A_31, %get3A_35 : vector<16xf32>
        %swap3A = arith.index_cast %scan3A_28 : i32 to index
        %swap3A_37 = arith.constant 0 : index
        %swap3A_38 = tpu.vector_load %arg9[%swap3A, %swap3A_37] {strides = array<i32>} : memref<400x128xf32, #tpu.memory_space<vmem>>, vector<1x16xf32>,
        %swap3A_39 = vector.shape_cast %swap3A_38 : vector<1x16xf32> to vector<16xf32>
        %swap3A_40 = vector.shape_cast %add3A_36 : vector<16xf32> to vector<1x16xf32>
        tpu.vector_store %arg9[%swap3A, %swap3A_37], %swap3A_40 {strides = array<i32>} : memref<400x128xf32, #tpu.memory_space<vmem>>, vector<1x16xf32>,
        %get3A_41 = arith.index_cast %scan3A_28 : i32 to index
        %get3A_42 = arith.constant 16 : index
        %get3A_43 = tpu.vector_load %arg9[%get3A_41, %get3A_42] {strides = array<i32>} : memref<400x128xf32, #tpu.memory_space<vmem>>, vector<1x16xf32>,
        %get3A_44 = vector.shape_cast %get3A_43 : vector<1x16xf32> to vector<16xf32>
        %get3A_45 = arith.index_cast %scan3A_28 : i32 to index
        %get3A_46 = arith.constant 16 : index
        %get3A_47 = tpu.vector_load %arg10[%get3A_45, %get3A_46] {strides = array<i32>} : memref<400x128xf32, #tpu.memory_space<vmem>>, vector<1x16xf32>,
        %get3A_48 = vector.shape_cast %get3A_47 : vector<1x16xf32> to vector<16xf32>
        %add3A_49 = arith.addf %get3A_44, %get3A_48 : vector<16xf32>
        %swap3A_50 = arith.index_cast %scan3A_28 : i32 to index
        %swap3A_51 = arith.constant 16 : index
        %swap3A_52 = tpu.vector_load %arg9[%swap3A_50, %swap3A_51] {strides = array<i32>} : memref<400x128xf32, #tpu.memory_space<vmem>>, vector<1x16xf32>,
        %swap3A_53 = vector.shape_cast %swap3A_52 : vector<1x16xf32> to vector<16xf32>
        %swap3A_54 = vector.shape_cast %add3A_49 : vector<16xf32> to vector<1x16xf32>
        tpu.vector_store %arg9[%swap3A_50, %swap3A_51], %swap3A_54 {strides = array<i32>} : memref<400x128xf32, #tpu.memory_space<vmem>>, vector<1x16xf32>,
        %get3A_55 = arith.index_cast %scan3A_28 : i32 to index
        %get3A_56 = arith.constant 32 : index
        %get3A_57 = tpu.vector_load %arg9[%get3A_55, %get3A_56] {strides = array<i32>} : memref<400x128xf32, #tpu.memory_space<vmem>>, vector<1x16xf32>,
        %get3A_58 = vector.shape_cast %get3A_57 : vector<1x16xf32> to vector<16xf32>
        %get3A_59 = arith.index_cast %scan3A_28 : i32 to index
        %get3A_60 = arith.constant 32 : index
        %get3A_61 = tpu.vector_load %arg10[%get3A_59, %get3A_60] {strides = array<i32>} : memref<400x128xf32, #tpu.memory_space<vmem>>, vector<1x16xf32>,
        %get3A_62 = vector.shape_cast %get3A_61 : vector<1x16xf32> to vector<16xf32>
        %add3A_63 = arith.addf %get3A_58, %get3A_62 : vector<16xf32>
        %swap3A_64 = arith.index_cast %scan3A_28 : i32 to index
        %swap3A_65 = arith.constant 32 : index
        %swap3A_66 = tpu.vector_load %arg9[%swap3A_64, %swap3A_65] {strides = array<i32>} : memref<400x128xf32, #tpu.memory_space<vmem>>, vector<1x16xf32>,
        %swap3A_67 = vector.shape_cast %swap3A_66 : vector<1x16xf32> to vector<16xf32>
        %swap3A_68 = vector.shape_cast %add3A_63 : vector<16xf32> to vector<1x16xf32>
        tpu.vector_store %arg9[%swap3A_64, %swap3A_65], %swap3A_68 {strides = array<i32>} : memref<400x128xf32, #tpu.memory_space<vmem>>, vector<1x16xf32>,
        %get3A_69 = arith.index_cast %scan3A_28 : i32 to index
        %get3A_70 = arith.constant 48 : index
        %get3A_71 = tpu.vector_load %arg9[%get3A_69, %get3A_70] {strides = array<i32>} : memref<400x128xf32, #tpu.memory_space<vmem>>, vector<1x16xf32>,
        %get3A_72 = vector.shape_cast %get3A_71 : vector<1x16xf32> to vector<16xf32>
        %get3A_73 = arith.index_cast %scan3A_28 : i32 to index
        %get3A_74 = arith.constant 48 : index
        %get3A_75 = tpu.vector_load %arg10[%get3A_73, %get3A_74] {strides = array<i32>} : memref<400x128xf32, #tpu.memory_space<vmem>>, vector<1x16xf32>,
        %get3A_76 = vector.shape_cast %get3A_75 : vector<1x16xf32> to vector<16xf32>
        %add3A_77 = arith.addf %get3A_72, %get3A_76 : vector<16xf32>
        %swap3A_78 = arith.index_cast %scan3A_28 : i32 to index
        %swap3A_79 = arith.constant 48 : index
        %swap3A_80 = tpu.vector_load %arg9[%swap3A_78, %swap3A_79] {strides = array<i32>} : memref<400x128xf32, #tpu.memory_space<vmem>>, vector<1x16xf32>,
        %swap3A_81 = vector.shape_cast %swap3A_80 : vector<1x16xf32> to vector<16xf32>
        %swap3A_82 = vector.shape_cast %add3A_77 : vector<16xf32> to vector<1x16xf32>
        tpu.vector_store %arg9[%swap3A_78, %swap3A_79], %swap3A_82 {strides = array<i32>} : memref<400x128xf32, #tpu.memory_space<vmem>>, vector<1x16xf32>,
        %get3A_83 = arith.index_cast %scan3A_28 : i32 to index
        %get3A_84 = arith.constant 64 : index
        %get3A_85 = tpu.vector_load %arg9[%get3A_83, %get3A_84] {strides = array<i32>} : memref<400x128xf32, #tpu.memory_space<vmem>>, vector<1x16xf32>,
        %get3A_86 = vector.shape_cast %get3A_85 : vector<1x16xf32> to vector<16xf32>
        %get3A_87 = arith.index_cast %scan3A_28 : i32 to index
        %get3A_88 = arith.constant 64 : index
        %get3A_89 = tpu.vector_load %arg10[%get3A_87, %get3A_88] {strides = array<i32>} : memref<400x128xf32, #tpu.memory_space<vmem>>, vector<1x16xf32>,
        %get3A_90 = vector.shape_cast %get3A_89 : vector<1x16xf32> to vector<16xf32>
        %add3A_91 = arith.addf %get3A_86, %get3A_90 : vector<16xf32>
        %swap3A_92 = arith.index_cast %scan3A_28 : i32 to index
        %swap3A_93 = arith.constant 64 : index
        %swap3A_94 = tpu.vector_load %arg9[%swap3A_92, %swap3A_93] {strides = array<i32>} : memref<400x128xf32, #tpu.memory_space<vmem>>, vector<1x16xf32>,
        %swap3A_95 = vector.shape_cast %swap3A_94 : vector<1x16xf32> to vector<16xf32>
        %swap3A_96 = vector.shape_cast %add3A_91 : vector<16xf32> to vector<1x16xf32>
        tpu.vector_store %arg9[%swap3A_92, %swap3A_93], %swap3A_96 {strides = array<i32>} : memref<400x128xf32, #tpu.memory_space<vmem>>, vector<1x16xf32>,
        %get3A_97 = arith.index_cast %scan3A_28 : i32 to index
        %get3A_98 = arith.constant 80 : index
        %get3A_99 = tpu.vector_load %arg9[%get3A_97, %get3A_98] {strides = array<i32>} : memref<400x128xf32, #tpu.memory_space<vmem>>, vector<1x16xf32>,
        %get3A_100 = vector.shape_cast %get3A_99 : vector<1x16xf32> to vector<16xf32>
        %get3A_101 = arith.index_cast %scan3A_28 : i32 to index
        %get3A_102 = arith.constant 80 : index
        %get3A_103 = tpu.vector_load %arg10[%get3A_101, %get3A_102] {strides = array<i32>} : memref<400x128xf32, #tpu.memory_space<vmem>>, vector<1x16xf32>,
        %get3A_104 = vector.shape_cast %get3A_103 : vector<1x16xf32> to vector<16xf32>
        %add3A_105 = arith.addf %get3A_100, %get3A_104 : vector<16xf32>
        %swap3A_106 = arith.index_cast %scan3A_28 : i32 to index
        %swap3A_107 = arith.constant 80 : index
        %swap3A_108 = tpu.vector_load %arg9[%swap3A_106, %swap3A_107] {strides = array<i32>} : memref<400x128xf32, #tpu.memory_space<vmem>>, vector<1x16xf32>,
        %swap3A_109 = vector.shape_cast %swap3A_108 : vector<1x16xf32> to vector<16xf32>
        %swap3A_110 = vector.shape_cast %add3A_105 : vector<16xf32> to vector<1x16xf32>
        tpu.vector_store %arg9[%swap3A_106, %swap3A_107], %swap3A_110 {strides = array<i32>} : memref<400x128xf32, #tpu.memory_space<vmem>>, vector<1x16xf32>,
        %get3A_111 = arith.index_cast %scan3A_28 : i32 to index
        %get3A_112 = arith.constant 96 : index
        %get3A_113 = tpu.vector_load %arg9[%get3A_111, %get3A_112] {strides = array<i32>} : memref<400x128xf32, #tpu.memory_space<vmem>>, vector<1x16xf32>,
        %get3A_114 = vector.shape_cast %get3A_113 : vector<1x16xf32> to vector<16xf32>
        %get3A_115 = arith.index_cast %scan3A_28 : i32 to index
        %get3A_116 = arith.constant 96 : index
        %get3A_117 = tpu.vector_load %arg10[%get3A_115, %get3A_116] {strides = array<i32>} : memref<400x128xf32, #tpu.memory_space<vmem>>, vector<1x16xf32>,
        %get3A_118 = vector.shape_cast %get3A_117 : vector<1x16xf32> to vector<16xf32>
        %add3A_119 = arith.addf %get3A_114, %get3A_118 : vector<16xf32>
        %swap3A_120 = arith.index_cast %scan3A_28 : i32 to index
        %swap3A_121 = arith.constant 96 : index
        %swap3A_122 = tpu.vector_load %arg9[%swap3A_120, %swap3A_121] {strides = array<i32>} : memref<400x128xf32, #tpu.memory_space<vmem>>, vector<1x16xf32>,
        %swap3A_123 = vector.shape_cast %swap3A_122 : vector<1x16xf32> to vector<16xf32>
        %swap3A_124 = vector.shape_cast %add3A_119 : vector<16xf32> to vector<1x16xf32>
        tpu.vector_store %arg9[%swap3A_120, %swap3A_121], %swap3A_124 {strides = array<i32>} : memref<400x128xf32, #tpu.memory_space<vmem>>, vector<1x16xf32>,
        %get3A_125 = arith.index_cast %scan3A_28 : i32 to index
        %get3A_126 = arith.constant 112 : index
        %get3A_127 = tpu.vector_load %arg9[%get3A_125, %get3A_126] {strides = array<i32>} : memref<400x128xf32, #tpu.memory_space<vmem>>, vector<1x16xf32>,
        %get3A_128 = vector.shape_cast %get3A_127 : vector<1x16xf32> to vector<16xf32>
        %get3A_129 = arith.index_cast %scan3A_28 : i32 to index
        %get3A_130 = arith.constant 112 : index
        %get3A_131 = tpu.vector_load %arg10[%get3A_129, %get3A_130] {strides = array<i32>} : memref<400x128xf32, #tpu.memory_space<vmem>>, vector<1x16xf32>,
        %get3A_132 = vector.shape_cast %get3A_131 : vector<1x16xf32> to vector<16xf32>
        %add3A_133 = arith.addf %get3A_128, %get3A_132 : vector<16xf32>
        %swap3A_134 = arith.index_cast %scan3A_28 : i32 to index
        %swap3A_135 = arith.constant 112 : index
        %swap3A_136 = tpu.vector_load %arg9[%swap3A_134, %swap3A_135] {strides = array<i32>} : memref<400x128xf32, #tpu.memory_space<vmem>>, vector<1x16xf32>,
        %swap3A_137 = vector.shape_cast %swap3A_136 : vector<1x16xf32> to vector<16xf32>
        %swap3A_138 = vector.shape_cast %add3A_133 : vector<16xf32> to vector<1x16xf32>
        tpu.vector_store %arg9[%swap3A_134, %swap3A_135], %swap3A_138 {strides = array<i32>} : memref<400x128xf32, #tpu.memory_space<vmem>>, vector<1x16xf32>,
      }
      %scan3A_27 = arith.constant 400 : i32
      "tpu.region"() ({
        %run_scoped3A = tpu.sem_alloc : memref<!tpu.dma_semaphore, #tpu.memory_space<semaphore_mem>>
        %dma_start3A_28 = arith.constant 0 : i32
        %dma_start3A_29 = tpu.memref_slice %arg6[%add3A_11, %dma_start3A_28] : memref<320000x128xf32, #tpu.memory_space<hbm>> -> memref<400x128xf32, #tpu.memory_space<hbm>>
        %dma_start3A_30 = arith.constant 0 : i32
        %dma_start3A_31 = tpu.memref_slice %arg6[%add3A_11, %dma_start3A_30] : memref<320000x128xf32, #tpu.memory_space<hbm>> -> memref<400x128xf32, #tpu.memory_space<hbm>>
        tpu.enqueue_dma source(%arg9 : memref<400x128xf32, #tpu.memory_space<vmem>>) target(%dma_start3A_31 : memref<400x128xf32, #tpu.memory_space<hbm>>) target_semaphore(%run_scoped3A : memref<!tpu.dma_semaphore, #tpu.memory_space<semaphore_mem>>)
        %dma_wait3A_32 = arith.constant 0 : i32
        %dma_wait3A_33 = tpu.memref_slice %arg6[%add3A_11, %dma_wait3A_32] : memref<320000x128xf32, #tpu.memory_space<hbm>> -> memref<400x128xf32, #tpu.memory_space<hbm>>
        %dma_wait3A_34 = arith.constant 0 : i32
        %dma_wait3A_35 = tpu.memref_slice %arg6[%add3A_11, %dma_wait3A_34] : memref<320000x128xf32, #tpu.memory_space<hbm>> -> memref<400x128xf32, #tpu.memory_space<hbm>>
        tpu.wait_dma2 semaphore(%run_scoped3A : memref<!tpu.dma_semaphore, #tpu.memory_space<semaphore_mem>>) src(%arg9 : memref<400x128xf32, #tpu.memory_space<vmem>>) dst(%dma_wait3A_35 : memref<400x128xf32, #tpu.memory_space<hbm>>)
        tpu.yield
      }) : () -> ()
    }
    %scan3A_7 = arith.constant 25 : i32
    return
  }
}

#map = affine_map<(d0, d1) -> (0, 0)>
#map1 = affine_map<(d0, d1) -> (0)>
module attributes {stable_mosaic.version = 14 : i64} {
  func.func @_sc_segsum_body(%arg0: i32, %arg1: i32, %arg2: memref<320000x128xf32, #tpu.memory_space<hbm>>, %arg3: memref<640000xi32, #tpu.memory_space<hbm>>, %arg4: memref<10240xi32, #tpu.memory_space<hbm>>, %arg5: memref<80x128xf32, #tpu.memory_space<hbm>>, %arg6: memref<20000x128xf32, #tpu.memory_space<hbm>>, %arg7: memref<80xi32, #tpu.memory_space<vmem>>, %arg8: memref<80xi32, #tpu.memory_space<vmem>>, %arg9: memref<80x128xf32, #tpu.memory_space<vmem>>, %arg10: memref<80x128xf32, #tpu.memory_space<vmem>>, %arg11: memref<80x128xf32, #tpu.memory_space<vmem>>, %arg12: memref<!tpu.dma_semaphore, #tpu.memory_space<semaphore_mem>>, %arg13: memref<10240x128xf32, #tpu.memory_space<vmem_shared>>) attributes {dimension_semantics = [#tpu.dimension_semantics<core_parallel>, #tpu.dimension_semantics<subcore_parallel>], iteration_bounds = array<i64: 2, 16>, scalar_prefetch = 0 : i64, scratch_operands = 7 : i64, tpu.core_type = #tpu.core_type<sc_vector_subcore>, window_params = [{transform_indices = #map}, {transform_indices = #map1}, {transform_indices = #map1}, {transform_indices = #map}, {transform_indices = #map}]} {
    %mul3A = arith.constant 640 : i32
    %mul3A_0 = arith.muli %arg1, %mul3A : i32
    %mul3A_1 = arith.constant 320000 : i32
    %mul3A_2 = arith.muli %arg0, %mul3A_1 : i32
    %mul3A_3 = arith.constant 10000 : i32
    %mul3A_4 = arith.muli %arg0, %mul3A_3 : i32
    "tpu.region"() ({
      %run_scoped3A = tpu.sem_alloc : memref<!tpu.dma_semaphore, #tpu.memory_space<semaphore_mem>>
      tpu.enqueue_dma source(%arg5 : memref<80x128xf32, #tpu.memory_space<hbm>>) target(%arg11 : memref<80x128xf32, #tpu.memory_space<vmem>>) target_semaphore(%run_scoped3A : memref<!tpu.dma_semaphore, #tpu.memory_space<semaphore_mem>>)
      tpu.wait_dma2 semaphore(%run_scoped3A : memref<!tpu.dma_semaphore, #tpu.memory_space<semaphore_mem>>) src(%arg5 : memref<80x128xf32, #tpu.memory_space<hbm>>) dst(%arg11 : memref<80x128xf32, #tpu.memory_space<vmem>>)
      tpu.yield
    }) : () -> ()
    %scan3A = arith.constant 0 : i32
    %scan3A_5 = arith.constant 0 : i32
    %scan3A_6 = arith.constant 8 : i32
    %scan3A_7 = arith.addi %scan3A_5, %scan3A_6 : i32
    %scan3A_8 = arith.constant 1 : i32
    scf.for %scan3A_27 = %scan3A_5 to %scan3A_7 step %scan3A_8  : i32 {
      %mul3A_28 = arith.constant 80 : i32
      %mul3A_29 = arith.muli %scan3A_27, %mul3A_28 : i32
      %add3A_30 = arith.addi %mul3A_0, %mul3A_29 : i32
      "tpu.region"() ({
        %run_scoped3A = tpu.sem_alloc : memref<!tpu.dma_semaphore, #tpu.memory_space<semaphore_mem>>
        %dma_start3A = tpu.memref_slice %arg4[%add3A_30] : memref<10240xi32, #tpu.memory_space<hbm>> -> memref<80xi32, #tpu.memory_space<hbm>>
        %dma_start3A_31 = tpu.memref_slice %arg4[%add3A_30] : memref<10240xi32, #tpu.memory_space<hbm>> -> memref<80xi32, #tpu.memory_space<hbm>>
        tpu.enqueue_dma source(%dma_start3A_31 : memref<80xi32, #tpu.memory_space<hbm>>) target(%arg7 : memref<80xi32, #tpu.memory_space<vmem>>) target_semaphore(%run_scoped3A : memref<!tpu.dma_semaphore, #tpu.memory_space<semaphore_mem>>)
        %dma_wait3A = tpu.memref_slice %arg4[%add3A_30] : memref<10240xi32, #tpu.memory_space<hbm>> -> memref<80xi32, #tpu.memory_space<hbm>>
        %dma_wait3A_32 = tpu.memref_slice %arg4[%add3A_30] : memref<10240xi32, #tpu.memory_space<hbm>> -> memref<80xi32, #tpu.memory_space<hbm>>
        tpu.wait_dma2 semaphore(%run_scoped3A : memref<!tpu.dma_semaphore, #tpu.memory_space<semaphore_mem>>) src(%dma_wait3A_32 : memref<80xi32, #tpu.memory_space<hbm>>) dst(%arg7 : memref<80xi32, #tpu.memory_space<vmem>>)
        tpu.yield
      }) : () -> ()
      "tpu.region"() ({
        %run_scoped3A = tpu.sem_alloc : memref<!tpu.dma_semaphore, #tpu.memory_space<semaphore_mem>>
        %dma_start3A = arith.constant 0 : i32
        %dma_start3A_31 = arith.constant 0 : i32
        %dma_start3A_32 = tpu.memref_slice %arg13[%dma_start3A, %dma_start3A_31] : memref<10240x128xf32, #tpu.memory_space<vmem_shared>> -> memref<10240x128xf32, #tpu.memory_space<vmem_shared>>
        tpu.enqueue_indirect_dma source(%arg11 : memref<80x128xf32, #tpu.memory_space<vmem>>) target(%dma_start3A_32 : memref<10240x128xf32, #tpu.memory_space<vmem_shared>>) offsets(%arg7 : memref<80xi32, #tpu.memory_space<vmem>>) semaphore(%run_scoped3A : memref<!tpu.dma_semaphore, #tpu.memory_space<semaphore_mem>>)
        %dma_wait3A = arith.constant 0 : i32
        %dma_wait3A_33 = arith.constant 0 : i32
        %dma_wait3A_34 = tpu.memref_slice %arg13[%dma_wait3A, %dma_wait3A_33] : memref<10240x128xf32, #tpu.memory_space<vmem_shared>> -> memref<10240x128xf32, #tpu.memory_space<vmem_shared>>
        tpu.wait_indirect_dma semaphore(%run_scoped3A : memref<!tpu.dma_semaphore, #tpu.memory_space<semaphore_mem>>) src(%arg11 : memref<80x128xf32, #tpu.memory_space<vmem>>) dst(%dma_wait3A_34 : memref<10240x128xf32, #tpu.memory_space<vmem_shared>>)
        tpu.yield
      }) : () -> ()
    }
    %scan3A_9 = arith.constant 8 : i32
    %barrier3A = arith.constant 0 : index
    tpu.barrier barrier_id(%barrier3A)
    %scan3A_10 = arith.constant 0 : i32
    %scan3A_11 = arith.constant 0 : i32
    %scan3A_12 = arith.constant 125 : i32
    %scan3A_13 = arith.addi %scan3A_11, %scan3A_12 : i32
    %scan3A_14 = arith.constant 1 : i32
    scf.for %scan3A_27 = %scan3A_11 to %scan3A_13 step %scan3A_14  : i32 {
      %mul3A_28 = arith.constant 62 : i32
      %mul3A_29 = arith.muli %arg0, %mul3A_28 : i32
      %add3A_30 = arith.addi %scan3A_27, %mul3A_29 : i32
      %rem3A = arith.constant 125 : i32
      %rem3A_31 = arith.remsi %add3A_30, %rem3A : i32
      %mul3A_32 = arith.constant 20000 : i32
      %mul3A_33 = arith.muli %arg1, %mul3A_32 : i32
      %mul3A_34 = arith.constant 160 : i32
      %mul3A_35 = arith.muli %rem3A_31, %mul3A_34 : i32
      %add3A_36 = arith.addi %mul3A_33, %mul3A_35 : i32
      %multiple_of3A = tpu.assume_multiple %add3A_36, 8 : i32
      %add3A_37 = arith.addi %mul3A_2, %multiple_of3A : i32
      "tpu.region"() ({
        %run_scoped3A = tpu.sem_alloc : memref<!tpu.dma_semaphore, #tpu.memory_space<semaphore_mem>>
        %dma_start3A = tpu.memref_slice %arg3[%add3A_37] : memref<640000xi32, #tpu.memory_space<hbm>> -> memref<80xi32, #tpu.memory_space<hbm>>
        %dma_start3A_43 = tpu.memref_slice %arg3[%add3A_37] : memref<640000xi32, #tpu.memory_space<hbm>> -> memref<80xi32, #tpu.memory_space<hbm>>
        tpu.enqueue_dma source(%dma_start3A_43 : memref<80xi32, #tpu.memory_space<hbm>>) target(%arg7 : memref<80xi32, #tpu.memory_space<vmem>>) target_semaphore(%run_scoped3A : memref<!tpu.dma_semaphore, #tpu.memory_space<semaphore_mem>>)
        %dma_wait3A = tpu.memref_slice %arg3[%add3A_37] : memref<640000xi32, #tpu.memory_space<hbm>> -> memref<80xi32, #tpu.memory_space<hbm>>
        %dma_wait3A_44 = tpu.memref_slice %arg3[%add3A_37] : memref<640000xi32, #tpu.memory_space<hbm>> -> memref<80xi32, #tpu.memory_space<hbm>>
        tpu.wait_dma2 semaphore(%run_scoped3A : memref<!tpu.dma_semaphore, #tpu.memory_space<semaphore_mem>>) src(%dma_wait3A_44 : memref<80xi32, #tpu.memory_space<hbm>>) dst(%arg7 : memref<80xi32, #tpu.memory_space<vmem>>)
        tpu.yield
      }) : () -> ()
      %add3A_38 = arith.addi %mul3A_2, %multiple_of3A : i32
      %add3A_39 = arith.constant 80 : i32
      %add3A_40 = arith.addi %add3A_38, %add3A_39 : i32
      "tpu.region"() ({
        %run_scoped3A = tpu.sem_alloc : memref<!tpu.dma_semaphore, #tpu.memory_space<semaphore_mem>>
        %dma_start3A = tpu.memref_slice %arg3[%add3A_40] : memref<640000xi32, #tpu.memory_space<hbm>> -> memref<80xi32, #tpu.memory_space<hbm>>
        %dma_start3A_43 = tpu.memref_slice %arg3[%add3A_40] : memref<640000xi32, #tpu.memory_space<hbm>> -> memref<80xi32, #tpu.memory_space<hbm>>
        tpu.enqueue_dma source(%dma_start3A_43 : memref<80xi32, #tpu.memory_space<hbm>>) target(%arg8 : memref<80xi32, #tpu.memory_space<vmem>>) target_semaphore(%run_scoped3A : memref<!tpu.dma_semaphore, #tpu.memory_space<semaphore_mem>>)
        %dma_wait3A = tpu.memref_slice %arg3[%add3A_40] : memref<640000xi32, #tpu.memory_space<hbm>> -> memref<80xi32, #tpu.memory_space<hbm>>
        %dma_wait3A_44 = tpu.memref_slice %arg3[%add3A_40] : memref<640000xi32, #tpu.memory_space<hbm>> -> memref<80xi32, #tpu.memory_space<hbm>>
        tpu.wait_dma2 semaphore(%run_scoped3A : memref<!tpu.dma_semaphore, #tpu.memory_space<semaphore_mem>>) src(%dma_wait3A_44 : memref<80xi32, #tpu.memory_space<hbm>>) dst(%arg8 : memref<80xi32, #tpu.memory_space<vmem>>)
        tpu.yield
      }) : () -> ()
      "tpu.region"() ({
        %run_scoped3A = tpu.sem_alloc : memref<!tpu.dma_semaphore, #tpu.memory_space<semaphore_mem>>
        %dma_start3A = arith.constant 0 : i32
        %dma_start3A_43 = tpu.memref_slice %arg2[%multiple_of3A, %dma_start3A] : memref<320000x128xf32, #tpu.memory_space<hbm>> -> memref<80x128xf32, #tpu.memory_space<hbm>>
        %dma_start3A_44 = arith.constant 0 : i32
        %dma_start3A_45 = tpu.memref_slice %arg2[%multiple_of3A, %dma_start3A_44] : memref<320000x128xf32, #tpu.memory_space<hbm>> -> memref<80x128xf32, #tpu.memory_space<hbm>>
        tpu.enqueue_dma source(%dma_start3A_45 : memref<80x128xf32, #tpu.memory_space<hbm>>) target(%arg9 : memref<80x128xf32, #tpu.memory_space<vmem>>) target_semaphore(%run_scoped3A : memref<!tpu.dma_semaphore, #tpu.memory_space<semaphore_mem>>)
        %dma_wait3A = arith.constant 0 : i32
        %dma_wait3A_46 = tpu.memref_slice %arg2[%multiple_of3A, %dma_wait3A] : memref<320000x128xf32, #tpu.memory_space<hbm>> -> memref<80x128xf32, #tpu.memory_space<hbm>>
        %dma_wait3A_47 = arith.constant 0 : i32
        %dma_wait3A_48 = tpu.memref_slice %arg2[%multiple_of3A, %dma_wait3A_47] : memref<320000x128xf32, #tpu.memory_space<hbm>> -> memref<80x128xf32, #tpu.memory_space<hbm>>
        tpu.wait_dma2 semaphore(%run_scoped3A : memref<!tpu.dma_semaphore, #tpu.memory_space<semaphore_mem>>) src(%dma_wait3A_48 : memref<80x128xf32, #tpu.memory_space<hbm>>) dst(%arg9 : memref<80x128xf32, #tpu.memory_space<vmem>>)
        tpu.yield
      }) : () -> ()
      %add3A_41 = arith.constant 80 : i32
      %add3A_42 = arith.addi %multiple_of3A, %add3A_41 : i32
      "tpu.region"() ({
        %run_scoped3A = tpu.sem_alloc : memref<!tpu.dma_semaphore, #tpu.memory_space<semaphore_mem>>
        %dma_start3A = arith.constant 0 : i32
        %dma_start3A_43 = tpu.memref_slice %arg2[%add3A_42, %dma_start3A] : memref<320000x128xf32, #tpu.memory_space<hbm>> -> memref<80x128xf32, #tpu.memory_space<hbm>>
        %dma_start3A_44 = arith.constant 0 : i32
        %dma_start3A_45 = tpu.memref_slice %arg2[%add3A_42, %dma_start3A_44] : memref<320000x128xf32, #tpu.memory_space<hbm>> -> memref<80x128xf32, #tpu.memory_space<hbm>>
        tpu.enqueue_dma source(%dma_start3A_45 : memref<80x128xf32, #tpu.memory_space<hbm>>) target(%arg10 : memref<80x128xf32, #tpu.memory_space<vmem>>) target_semaphore(%run_scoped3A : memref<!tpu.dma_semaphore, #tpu.memory_space<semaphore_mem>>)
        %dma_wait3A = arith.constant 0 : i32
        %dma_wait3A_46 = tpu.memref_slice %arg2[%add3A_42, %dma_wait3A] : memref<320000x128xf32, #tpu.memory_space<hbm>> -> memref<80x128xf32, #tpu.memory_space<hbm>>
        %dma_wait3A_47 = arith.constant 0 : i32
        %dma_wait3A_48 = tpu.memref_slice %arg2[%add3A_42, %dma_wait3A_47] : memref<320000x128xf32, #tpu.memory_space<hbm>> -> memref<80x128xf32, #tpu.memory_space<hbm>>
        tpu.wait_dma2 semaphore(%run_scoped3A : memref<!tpu.dma_semaphore, #tpu.memory_space<semaphore_mem>>) src(%dma_wait3A_48 : memref<80x128xf32, #tpu.memory_space<hbm>>) dst(%arg10 : memref<80x128xf32, #tpu.memory_space<vmem>>)
        tpu.yield
      }) : () -> ()
      "tpu.region"() ({
        %run_scoped3A = tpu.sem_alloc : memref<!tpu.dma_semaphore, #tpu.memory_space<semaphore_mem>>
        %dma_start3A = arith.constant 0 : i32
        %dma_start3A_43 = arith.constant 0 : i32
        %dma_start3A_44 = tpu.memref_slice %arg13[%dma_start3A, %dma_start3A_43] : memref<10240x128xf32, #tpu.memory_space<vmem_shared>> -> memref<10240x128xf32, #tpu.memory_space<vmem_shared>>
        tpu.enqueue_indirect_dma source(%arg9 : memref<80x128xf32, #tpu.memory_space<vmem>>) target(%dma_start3A_44 : memref<10240x128xf32, #tpu.memory_space<vmem_shared>>) offsets(%arg7 : memref<80xi32, #tpu.memory_space<vmem>>) semaphore(%run_scoped3A : memref<!tpu.dma_semaphore, #tpu.memory_space<semaphore_mem>>) {add = true}
        %dma_wait3A = arith.constant 0 : i32
        %dma_wait3A_45 = arith.constant 0 : i32
        %dma_wait3A_46 = tpu.memref_slice %arg13[%dma_wait3A, %dma_wait3A_45] : memref<10240x128xf32, #tpu.memory_space<vmem_shared>> -> memref<10240x128xf32, #tpu.memory_space<vmem_shared>>
        tpu.wait_indirect_dma semaphore(%run_scoped3A : memref<!tpu.dma_semaphore, #tpu.memory_space<semaphore_mem>>) src(%arg9 : memref<80x128xf32, #tpu.memory_space<vmem>>) dst(%dma_wait3A_46 : memref<10240x128xf32, #tpu.memory_space<vmem_shared>>)
        tpu.yield
      }) : () -> ()
      "tpu.region"() ({
        %run_scoped3A = tpu.sem_alloc : memref<!tpu.dma_semaphore, #tpu.memory_space<semaphore_mem>>
        %dma_start3A = arith.constant 0 : i32
        %dma_start3A_43 = arith.constant 0 : i32
        %dma_start3A_44 = tpu.memref_slice %arg13[%dma_start3A, %dma_start3A_43] : memref<10240x128xf32, #tpu.memory_space<vmem_shared>> -> memref<10240x128xf32, #tpu.memory_space<vmem_shared>>
        tpu.enqueue_indirect_dma source(%arg10 : memref<80x128xf32, #tpu.memory_space<vmem>>) target(%dma_start3A_44 : memref<10240x128xf32, #tpu.memory_space<vmem_shared>>) offsets(%arg8 : memref<80xi32, #tpu.memory_space<vmem>>) semaphore(%run_scoped3A : memref<!tpu.dma_semaphore, #tpu.memory_space<semaphore_mem>>) {add = true}
        %dma_wait3A = arith.constant 0 : i32
        %dma_wait3A_45 = arith.constant 0 : i32
        %dma_wait3A_46 = tpu.memref_slice %arg13[%dma_wait3A, %dma_wait3A_45] : memref<10240x128xf32, #tpu.memory_space<vmem_shared>> -> memref<10240x128xf32, #tpu.memory_space<vmem_shared>>
        tpu.wait_indirect_dma semaphore(%run_scoped3A : memref<!tpu.dma_semaphore, #tpu.memory_space<semaphore_mem>>) src(%arg10 : memref<80x128xf32, #tpu.memory_space<vmem>>) dst(%dma_wait3A_46 : memref<10240x128xf32, #tpu.memory_space<vmem_shared>>)
        tpu.yield
      }) : () -> ()
    }
    %scan3A_15 = arith.constant 125 : i32
    %barrier3A_16 = arith.constant 0 : index
    tpu.barrier barrier_id(%barrier3A_16)
    %add3A = arith.constant 0 : i32
    %add3A_17 = arith.addi %add3A, %arg1 : i32
    %lt3A = arith.constant 25 : i32
    %lt3A_18 = arith.cmpi slt, %add3A_17, %lt3A : i32
    %convert_element_type3A = arith.extui %lt3A_18 : i1 to i32
    %cond3A = arith.constant 0 : i32
    %cond3A_19 = arith.cmpi ne, %convert_element_type3A, %cond3A : i32
    scf.if %cond3A_19 {
      %scan3A_27 = arith.constant 0 : i32
      %scan3A_28 = arith.constant 0 : i32
      %scan3A_29 = arith.constant 5 : i32
      %scan3A_30 = arith.addi %scan3A_28, %scan3A_29 : i32
      %scan3A_31 = arith.constant 1 : i32
      scf.for %scan3A_33 = %scan3A_28 to %scan3A_30 step %scan3A_31  : i32 {
        %mul3A_34 = arith.constant 400 : i32
        %mul3A_35 = arith.muli %add3A_17, %mul3A_34 : i32
        %mul3A_36 = arith.constant 80 : i32
        %mul3A_37 = arith.muli %scan3A_33, %mul3A_36 : i32
        %add3A_38 = arith.addi %mul3A_35, %mul3A_37 : i32
        %multiple_of3A = tpu.assume_multiple %add3A_38, 8 : i32
        "tpu.region"() ({
          %run_scoped3A = tpu.sem_alloc : memref<!tpu.dma_semaphore, #tpu.memory_space<semaphore_mem>>
          %dma_start3A_44 = tpu.memref_slice %arg4[%multiple_of3A] : memref<10240xi32, #tpu.memory_space<hbm>> -> memref<80xi32, #tpu.memory_space<hbm>>
          %dma_start3A_45 = tpu.memref_slice %arg4[%multiple_of3A] : memref<10240xi32, #tpu.memory_space<hbm>> -> memref<80xi32, #tpu.memory_space<hbm>>
          tpu.enqueue_dma source(%dma_start3A_45 : memref<80xi32, #tpu.memory_space<hbm>>) target(%arg7 : memref<80xi32, #tpu.memory_space<vmem>>) target_semaphore(%run_scoped3A : memref<!tpu.dma_semaphore, #tpu.memory_space<semaphore_mem>>)
          %dma_wait3A_46 = tpu.memref_slice %arg4[%multiple_of3A] : memref<10240xi32, #tpu.memory_space<hbm>> -> memref<80xi32, #tpu.memory_space<hbm>>
          %dma_wait3A_47 = tpu.memref_slice %arg4[%multiple_of3A] : memref<10240xi32, #tpu.memory_space<hbm>> -> memref<80xi32, #tpu.memory_space<hbm>>
          tpu.wait_dma2 semaphore(%run_scoped3A : memref<!tpu.dma_semaphore, #tpu.memory_space<semaphore_mem>>) src(%dma_wait3A_47 : memref<80xi32, #tpu.memory_space<hbm>>) dst(%arg7 : memref<80xi32, #tpu.memory_space<vmem>>)
          tpu.yield
        }) : () -> ()
        %dma_start3A = arith.constant 0 : i32
        %dma_start3A_39 = arith.constant 0 : i32
        %dma_start3A_40 = tpu.memref_slice %arg13[%dma_start3A, %dma_start3A_39] : memref<10240x128xf32, #tpu.memory_space<vmem_shared>> -> memref<10240x128xf32, #tpu.memory_space<vmem_shared>>
        tpu.enqueue_indirect_dma source(%dma_start3A_40 : memref<10240x128xf32, #tpu.memory_space<vmem_shared>>) target(%arg9 : memref<80x128xf32, #tpu.memory_space<vmem>>) offsets(%arg7 : memref<80xi32, #tpu.memory_space<vmem>>) semaphore(%arg12 : memref<!tpu.dma_semaphore, #tpu.memory_space<semaphore_mem>>)
        %dma_wait3A = arith.constant 0 : i32
        %dma_wait3A_41 = arith.constant 0 : i32
        %dma_wait3A_42 = tpu.memref_slice %arg13[%dma_wait3A, %dma_wait3A_41] : memref<10240x128xf32, #tpu.memory_space<vmem_shared>> -> memref<10240x128xf32, #tpu.memory_space<vmem_shared>>
        tpu.wait_indirect_dma semaphore(%arg12 : memref<!tpu.dma_semaphore, #tpu.memory_space<semaphore_mem>>) src(%dma_wait3A_42 : memref<10240x128xf32, #tpu.memory_space<vmem_shared>>) dst(%arg9 : memref<80x128xf32, #tpu.memory_space<vmem>>)
        %add3A_43 = arith.addi %mul3A_4, %multiple_of3A : i32
        "tpu.region"() ({
          %run_scoped3A = tpu.sem_alloc : memref<!tpu.dma_semaphore, #tpu.memory_space<semaphore_mem>>
          %dma_start3A_44 = arith.constant 0 : i32
          %dma_start3A_45 = tpu.memref_slice %arg6[%add3A_43, %dma_start3A_44] : memref<20000x128xf32, #tpu.memory_space<hbm>> -> memref<80x128xf32, #tpu.memory_space<hbm>>
          %dma_start3A_46 = arith.constant 0 : i32
          %dma_start3A_47 = tpu.memref_slice %arg6[%add3A_43, %dma_start3A_46] : memref<20000x128xf32, #tpu.memory_space<hbm>> -> memref<80x128xf32, #tpu.memory_space<hbm>>
          tpu.enqueue_dma source(%arg9 : memref<80x128xf32, #tpu.memory_space<vmem>>) target(%dma_start3A_47 : memref<80x128xf32, #tpu.memory_space<hbm>>) target_semaphore(%run_scoped3A : memref<!tpu.dma_semaphore, #tpu.memory_space<semaphore_mem>>)
          %dma_wait3A_48 = arith.constant 0 : i32
          %dma_wait3A_49 = tpu.memref_slice %arg6[%add3A_43, %dma_wait3A_48] : memref<20000x128xf32, #tpu.memory_space<hbm>> -> memref<80x128xf32, #tpu.memory_space<hbm>>
          %dma_wait3A_50 = arith.constant 0 : i32
          %dma_wait3A_51 = tpu.memref_slice %arg6[%add3A_43, %dma_wait3A_50] : memref<20000x128xf32, #tpu.memory_space<hbm>> -> memref<80x128xf32, #tpu.memory_space<hbm>>
          tpu.wait_dma2 semaphore(%run_scoped3A : memref<!tpu.dma_semaphore, #tpu.memory_space<semaphore_mem>>) src(%arg9 : memref<80x128xf32, #tpu.memory_space<vmem>>) dst(%dma_wait3A_51 : memref<80x128xf32, #tpu.memory_space<hbm>>)
          tpu.yield
        }) : () -> ()
      }
      %scan3A_32 = arith.constant 5 : i32
    } else {
    }
    %add3A_20 = arith.constant 16 : i32
    %add3A_21 = arith.addi %add3A_20, %arg1 : i32
    %lt3A_22 = arith.constant 25 : i32
    %lt3A_23 = arith.cmpi slt, %add3A_21, %lt3A_22 : i32
    %convert_element_type3A_24 = arith.extui %lt3A_23 : i1 to i32
    %cond3A_25 = arith.constant 0 : i32
    %cond3A_26 = arith.cmpi ne, %convert_element_type3A_24, %cond3A_25 : i32
    scf.if %cond3A_26 {
      %scan3A_27 = arith.constant 0 : i32
      %scan3A_28 = arith.constant 0 : i32
      %scan3A_29 = arith.constant 5 : i32
      %scan3A_30 = arith.addi %scan3A_28, %scan3A_29 : i32
      %scan3A_31 = arith.constant 1 : i32
      scf.for %scan3A_33 = %scan3A_28 to %scan3A_30 step %scan3A_31  : i32 {
        %mul3A_34 = arith.constant 400 : i32
        %mul3A_35 = arith.muli %add3A_21, %mul3A_34 : i32
        %mul3A_36 = arith.constant 80 : i32
        %mul3A_37 = arith.muli %scan3A_33, %mul3A_36 : i32
        %add3A_38 = arith.addi %mul3A_35, %mul3A_37 : i32
        %multiple_of3A = tpu.assume_multiple %add3A_38, 8 : i32
        "tpu.region"() ({
          %run_scoped3A = tpu.sem_alloc : memref<!tpu.dma_semaphore, #tpu.memory_space<semaphore_mem>>
          %dma_start3A_44 = tpu.memref_slice %arg4[%multiple_of3A] : memref<10240xi32, #tpu.memory_space<hbm>> -> memref<80xi32, #tpu.memory_space<hbm>>
          %dma_start3A_45 = tpu.memref_slice %arg4[%multiple_of3A] : memref<10240xi32, #tpu.memory_space<hbm>> -> memref<80xi32, #tpu.memory_space<hbm>>
          tpu.enqueue_dma source(%dma_start3A_45 : memref<80xi32, #tpu.memory_space<hbm>>) target(%arg7 : memref<80xi32, #tpu.memory_space<vmem>>) target_semaphore(%run_scoped3A : memref<!tpu.dma_semaphore, #tpu.memory_space<semaphore_mem>>)
          %dma_wait3A_46 = tpu.memref_slice %arg4[%multiple_of3A] : memref<10240xi32, #tpu.memory_space<hbm>> -> memref<80xi32, #tpu.memory_space<hbm>>
          %dma_wait3A_47 = tpu.memref_slice %arg4[%multiple_of3A] : memref<10240xi32, #tpu.memory_space<hbm>> -> memref<80xi32, #tpu.memory_space<hbm>>
          tpu.wait_dma2 semaphore(%run_scoped3A : memref<!tpu.dma_semaphore, #tpu.memory_space<semaphore_mem>>) src(%dma_wait3A_47 : memref<80xi32, #tpu.memory_space<hbm>>) dst(%arg7 : memref<80xi32, #tpu.memory_space<vmem>>)
          tpu.yield
        }) : () -> ()
        %dma_start3A = arith.constant 0 : i32
        %dma_start3A_39 = arith.constant 0 : i32
        %dma_start3A_40 = tpu.memref_slice %arg13[%dma_start3A, %dma_start3A_39] : memref<10240x128xf32, #tpu.memory_space<vmem_shared>> -> memref<10240x128xf32, #tpu.memory_space<vmem_shared>>
        tpu.enqueue_indirect_dma source(%dma_start3A_40 : memref<10240x128xf32, #tpu.memory_space<vmem_shared>>) target(%arg9 : memref<80x128xf32, #tpu.memory_space<vmem>>) offsets(%arg7 : memref<80xi32, #tpu.memory_space<vmem>>) semaphore(%arg12 : memref<!tpu.dma_semaphore, #tpu.memory_space<semaphore_mem>>)
        %dma_wait3A = arith.constant 0 : i32
        %dma_wait3A_41 = arith.constant 0 : i32
        %dma_wait3A_42 = tpu.memref_slice %arg13[%dma_wait3A, %dma_wait3A_41] : memref<10240x128xf32, #tpu.memory_space<vmem_shared>> -> memref<10240x128xf32, #tpu.memory_space<vmem_shared>>
        tpu.wait_indirect_dma semaphore(%arg12 : memref<!tpu.dma_semaphore, #tpu.memory_space<semaphore_mem>>) src(%dma_wait3A_42 : memref<10240x128xf32, #tpu.memory_space<vmem_shared>>) dst(%arg9 : memref<80x128xf32, #tpu.memory_space<vmem>>)
        %add3A_43 = arith.addi %mul3A_4, %multiple_of3A : i32
        "tpu.region"() ({
          %run_scoped3A = tpu.sem_alloc : memref<!tpu.dma_semaphore, #tpu.memory_space<semaphore_mem>>
          %dma_start3A_44 = arith.constant 0 : i32
          %dma_start3A_45 = tpu.memref_slice %arg6[%add3A_43, %dma_start3A_44] : memref<20000x128xf32, #tpu.memory_space<hbm>> -> memref<80x128xf32, #tpu.memory_space<hbm>>
          %dma_start3A_46 = arith.constant 0 : i32
          %dma_start3A_47 = tpu.memref_slice %arg6[%add3A_43, %dma_start3A_46] : memref<20000x128xf32, #tpu.memory_space<hbm>> -> memref<80x128xf32, #tpu.memory_space<hbm>>
          tpu.enqueue_dma source(%arg9 : memref<80x128xf32, #tpu.memory_space<vmem>>) target(%dma_start3A_47 : memref<80x128xf32, #tpu.memory_space<hbm>>) target_semaphore(%run_scoped3A : memref<!tpu.dma_semaphore, #tpu.memory_space<semaphore_mem>>)
          %dma_wait3A_48 = arith.constant 0 : i32
          %dma_wait3A_49 = tpu.memref_slice %arg6[%add3A_43, %dma_wait3A_48] : memref<20000x128xf32, #tpu.memory_space<hbm>> -> memref<80x128xf32, #tpu.memory_space<hbm>>
          %dma_wait3A_50 = arith.constant 0 : i32
          %dma_wait3A_51 = tpu.memref_slice %arg6[%add3A_43, %dma_wait3A_50] : memref<20000x128xf32, #tpu.memory_space<hbm>> -> memref<80x128xf32, #tpu.memory_space<hbm>>
          tpu.wait_dma2 semaphore(%run_scoped3A : memref<!tpu.dma_semaphore, #tpu.memory_space<semaphore_mem>>) src(%arg9 : memref<80x128xf32, #tpu.memory_space<vmem>>) dst(%dma_wait3A_51 : memref<80x128xf32, #tpu.memory_space<hbm>>)
          tpu.yield
        }) : () -> ()
      }
      %scan3A_32 = arith.constant 5 : i32
    } else {
    }
    return
  }
}

module attributes {stable_mosaic.version = 14 : i64} {
  func.func @_proj_body(%arg0: i32, %arg1: memref<2000x128xf32, #tpu.memory_space<vmem>>, %arg2: memref<128x128xf32, #tpu.memory_space<vmem>>, %arg3: memref<128x128xf32, #tpu.memory_space<vmem>>, %arg4: memref<2000x128xf32, #tpu.memory_space<vmem>>, %arg5: memref<2000x128xf32, #tpu.memory_space<vmem>>) attributes {dimension_semantics = [#tpu.dimension_semantics<arbitrary>], iteration_bounds = array<i64: 10>, scalar_prefetch = 0 : i64, scratch_operands = 0 : i64, tpu.core_type = #tpu.core_type<tc>, window_params = [{transform_indices = @transform_0, window_bounds = array<i64: 2000, 128>}, {pipeline_mode = #tpu.pipeline_mode<synchronous>, transform_indices = @transform_1, window_bounds = array<i64: 128, 128>}, {pipeline_mode = #tpu.pipeline_mode<synchronous>, transform_indices = @transform_2, window_bounds = array<i64: 128, 128>}, {transform_indices = @transform_3, window_bounds = array<i64: 2000, 128>}, {transform_indices = @transform_4, window_bounds = array<i64: 2000, 128>}]} {
    %get3A = arith.constant 0 : index
    %get3A_0 = arith.constant 0 : index
    %get3A_1 = vector.load %arg1[%get3A, %get3A_0] : memref<2000x128xf32, #tpu.memory_space<vmem>>, vector<2000x128xf32>
    %get3A_2 = arith.constant 0 : index
    %get3A_3 = arith.constant 0 : index
    %get3A_4 = vector.load %arg2[%get3A_2, %get3A_3] : memref<128x128xf32, #tpu.memory_space<vmem>>, vector<128x128xf32>
    %dot_general3A = arith.constant dense<0.000000e+00> : vector<2000x128xf32>
    %dot_general3A_5 = tpu.matmul %get3A_1, %get3A_4, %dot_general3A {dimension_numbers = #tpu.dot_dimension_numbers<[1], [0], [0], [1], [0, 0, 1, 1], [], []>, transpose_lhs_hint = false} : vector<2000x128xf32>, vector<128x128xf32>, vector<2000x128xf32> -> vector<2000x128xf32>
    %swap3A = arith.constant 0 : index
    %swap3A_6 = arith.constant 0 : index
    %swap3A_7 = vector.load %arg4[%swap3A, %swap3A_6] : memref<2000x128xf32, #tpu.memory_space<vmem>>, vector<2000x128xf32>
    tpu.vector_store %arg4[%swap3A, %swap3A_6], %dot_general3A_5 {strides = array<i32>} : memref<2000x128xf32, #tpu.memory_space<vmem>>, vector<2000x128xf32>,
    %get3A_8 = arith.constant 0 : index
    %get3A_9 = arith.constant 0 : index
    %get3A_10 = vector.load %arg3[%get3A_8, %get3A_9] : memref<128x128xf32, #tpu.memory_space<vmem>>, vector<128x128xf32>
    %dot_general3A_11 = arith.constant dense<0.000000e+00> : vector<2000x128xf32>
    %dot_general3A_12 = tpu.matmul %get3A_1, %get3A_10, %dot_general3A_11 {dimension_numbers = #tpu.dot_dimension_numbers<[1], [0], [0], [1], [0, 0, 1, 1], [], []>, transpose_lhs_hint = false} : vector<2000x128xf32>, vector<128x128xf32>, vector<2000x128xf32> -> vector<2000x128xf32>
    %swap3A_13 = arith.constant 0 : index
    %swap3A_14 = arith.constant 0 : index
    %swap3A_15 = vector.load %arg5[%swap3A_13, %swap3A_14] : memref<2000x128xf32, #tpu.memory_space<vmem>>, vector<2000x128xf32>
    tpu.vector_store %arg5[%swap3A_13, %swap3A_14], %dot_general3A_12 {strides = array<i32>} : memref<2000x128xf32, #tpu.memory_space<vmem>>, vector<2000x128xf32>,
    return
  }
  func.func @transform_0(%arg0: i32) -> (i32, i32) {
    %c0_i32 = arith.constant 0 : i32
    %c0_i32_0 = arith.constant 0 : i32
    return %arg0, %c0_i32 : i32, i32
  }
  func.func @transform_1(%arg0: i32) -> (i32, i32) {
    %c0_i32 = arith.constant 0 : i32
    %c0_i32_0 = arith.constant 0 : i32
    %c0_i32_1 = arith.constant 0 : i32
    return %c0_i32, %c0_i32_0 : i32, i32
  }
  func.func @transform_2(%arg0: i32) -> (i32, i32) {
    %c0_i32 = arith.constant 0 : i32
    %c0_i32_0 = arith.constant 0 : i32
    %c0_i32_1 = arith.constant 0 : i32
    return %c0_i32, %c0_i32_0 : i32, i32
  }
  func.func @transform_3(%arg0: i32) -> (i32, i32) {
    %c0_i32 = arith.constant 0 : i32
    %c0_i32_0 = arith.constant 0 : i32
    return %arg0, %c0_i32 : i32, i32
  }
  func.func @transform_4(%arg0: i32) -> (i32, i32) {
    %c0_i32 = arith.constant 0 : i32
    %c0_i32_0 = arith.constant 0 : i32
    return %arg0, %c0_i32 : i32, i32
  }
}

module attributes {stable_mosaic.version = 14 : i64} {
  func.func @_edge_body(%arg0: i32, %arg1: memref<2000x128xf32, #tpu.memory_space<vmem>>, %arg2: memref<2000x16xf32, #tpu.memory_space<vmem>>, %arg3: memref<16x128xf32, #tpu.memory_space<vmem>>, %arg4: memref<1x128xf32, #tpu.memory_space<vmem>>, %arg5: memref<128x128xf32, #tpu.memory_space<vmem>>, %arg6: memref<1x128xf32, #tpu.memory_space<vmem>>, %arg7: memref<128x16xf32, #tpu.memory_space<vmem>>, %arg8: memref<1x16xf32, #tpu.memory_space<vmem>>, %arg9: memref<2000x128xf32, #tpu.memory_space<vmem>>, %arg10: memref<2000x16xf32, #tpu.memory_space<vmem>>) attributes {dimension_semantics = [#tpu.dimension_semantics<arbitrary>], iteration_bounds = array<i64: 160>, scalar_prefetch = 0 : i64, scratch_operands = 0 : i64, tpu.core_type = #tpu.core_type<tc>, window_params = [{transform_indices = @transform_0, window_bounds = array<i64: 2000, 128>}, {transform_indices = @transform_1, window_bounds = array<i64: 2000, 16>}, {pipeline_mode = #tpu.pipeline_mode<synchronous>, transform_indices = @transform_2, window_bounds = array<i64: 16, 128>}, {pipeline_mode = #tpu.pipeline_mode<synchronous>, transform_indices = @transform_3, window_bounds = array<i64: 1, 128>}, {pipeline_mode = #tpu.pipeline_mode<synchronous>, transform_indices = @transform_4, window_bounds = array<i64: 128, 128>}, {pipeline_mode = #tpu.pipeline_mode<synchronous>, transform_indices = @transform_5, window_bounds = array<i64: 1, 128>}, {pipeline_mode = #tpu.pipeline_mode<synchronous>, transform_indices = @transform_6, window_bounds = array<i64: 128, 16>}, {pipeline_mode = #tpu.pipeline_mode<synchronous>, transform_indices = @transform_7, window_bounds = array<i64: 1, 16>}, {transform_indices = @transform_8, window_bounds = array<i64: 2000, 128>}, {transform_indices = @transform_9, window_bounds = array<i64: 2000, 16>}]} {
    %get3A = arith.constant 0 : index
    %get3A_0 = arith.constant 0 : index
    %get3A_1 = vector.load %arg1[%get3A, %get3A_0] : memref<2000x128xf32, #tpu.memory_space<vmem>>, vector<2000x128xf32>
    %get3A_2 = arith.constant 0 : index
    %get3A_3 = arith.constant 0 : index
    %get3A_4 = vector.load %arg2[%get3A_2, %get3A_3] : memref<2000x16xf32, #tpu.memory_space<vmem>>, vector<2000x16xf32>
    %get3A_5 = arith.constant 0 : index
    %get3A_6 = arith.constant 0 : index
    %get3A_7 = vector.load %arg3[%get3A_5, %get3A_6] : memref<16x128xf32, #tpu.memory_space<vmem>>, vector<16x128xf32>
    %dot_general3A = arith.constant dense<0.000000e+00> : vector<2000x128xf32>
    %dot_general3A_8 = tpu.matmul %get3A_4, %get3A_7, %dot_general3A {dimension_numbers = #tpu.dot_dimension_numbers<[1], [0], [0], [1], [0, 0, 1, 1], [], []>, transpose_lhs_hint = false} : vector<2000x16xf32>, vector<16x128xf32>, vector<2000x128xf32> -> vector<2000x128xf32>
    %add3A = arith.addf %get3A_1, %dot_general3A_8 : vector<2000x128xf32>
    %get3A_9 = arith.constant 0 : index
    %get3A_10 = arith.constant 0 : index
    %get3A_11 = vector.load %arg4[%get3A_9, %get3A_10] : memref<1x128xf32, #tpu.memory_space<vmem>>, vector<1x128xf32>
    %add3A_12 = vector.broadcast %get3A_11 : vector<1x128xf32> to vector<2000x128xf32>
    %add3A_13 = arith.addf %add3A, %add3A_12 : vector<2000x128xf32>
    %max3A = arith.constant 0.000000e+00 : f32
    %max3A_14 = vector.broadcast %max3A : f32 to vector<2000x128xf32>
    %max3A_15 = arith.maximumf %add3A_13, %max3A_14 : vector<2000x128xf32>
    %get3A_16 = arith.constant 0 : index
    %get3A_17 = arith.constant 0 : index
    %get3A_18 = vector.load %arg5[%get3A_16, %get3A_17] : memref<128x128xf32, #tpu.memory_space<vmem>>, vector<128x128xf32>
    %dot_general3A_19 = arith.constant dense<0.000000e+00> : vector<2000x128xf32>
    %dot_general3A_20 = tpu.matmul %max3A_15, %get3A_18, %dot_general3A_19 {dimension_numbers = #tpu.dot_dimension_numbers<[1], [0], [0], [1], [0, 0, 1, 1], [], []>, transpose_lhs_hint = false} : vector<2000x128xf32>, vector<128x128xf32>, vector<2000x128xf32> -> vector<2000x128xf32>
    %get3A_21 = arith.constant 0 : index
    %get3A_22 = arith.constant 0 : index
    %get3A_23 = vector.load %arg6[%get3A_21, %get3A_22] : memref<1x128xf32, #tpu.memory_space<vmem>>, vector<1x128xf32>
    %add3A_24 = vector.broadcast %get3A_23 : vector<1x128xf32> to vector<2000x128xf32>
    %add3A_25 = arith.addf %dot_general3A_20, %add3A_24 : vector<2000x128xf32>
    %max3A_26 = arith.constant 0.000000e+00 : f32
    %max3A_27 = vector.broadcast %max3A_26 : f32 to vector<2000x128xf32>
    %max3A_28 = arith.maximumf %add3A_25, %max3A_27 : vector<2000x128xf32>
    %swap3A = arith.constant 0 : index
    %swap3A_29 = arith.constant 0 : index
    %swap3A_30 = vector.load %arg9[%swap3A, %swap3A_29] : memref<2000x128xf32, #tpu.memory_space<vmem>>, vector<2000x128xf32>
    tpu.vector_store %arg9[%swap3A, %swap3A_29], %max3A_28 {strides = array<i32>} : memref<2000x128xf32, #tpu.memory_space<vmem>>, vector<2000x128xf32>,
    %get3A_31 = arith.constant 0 : index
    %get3A_32 = arith.constant 0 : index
    %get3A_33 = vector.load %arg7[%get3A_31, %get3A_32] : memref<128x16xf32, #tpu.memory_space<vmem>>, vector<128x16xf32>
    %dot_general3A_34 = arith.constant dense<0.000000e+00> : vector<2000x16xf32>
    %dot_general3A_35 = tpu.matmul %max3A_28, %get3A_33, %dot_general3A_34 {dimension_numbers = #tpu.dot_dimension_numbers<[1], [0], [0], [1], [0, 0, 1, 1], [], []>, transpose_lhs_hint = false} : vector<2000x128xf32>, vector<128x16xf32>, vector<2000x16xf32> -> vector<2000x16xf32>
    %get3A_36 = arith.constant 0 : index
    %get3A_37 = arith.constant 0 : index
    %get3A_38 = vector.load %arg8[%get3A_36, %get3A_37] : memref<1x16xf32, #tpu.memory_space<vmem>>, vector<1x16xf32>
    %add3A_39 = vector.broadcast %get3A_38 : vector<1x16xf32> to vector<2000x16xf32>
    %add3A_40 = arith.addf %dot_general3A_35, %add3A_39 : vector<2000x16xf32>
    %max3A_41 = arith.constant 0.000000e+00 : f32
    %max3A_42 = vector.broadcast %max3A_41 : f32 to vector<2000x16xf32>
    %max3A_43 = arith.maximumf %add3A_40, %max3A_42 : vector<2000x16xf32>
    %swap3A_44 = arith.constant 0 : index
    %swap3A_45 = arith.constant 0 : index
    %swap3A_46 = vector.load %arg10[%swap3A_44, %swap3A_45] : memref<2000x16xf32, #tpu.memory_space<vmem>>, vector<2000x16xf32>
    tpu.vector_store %arg10[%swap3A_44, %swap3A_45], %max3A_43 {strides = array<i32>} : memref<2000x16xf32, #tpu.memory_space<vmem>>, vector<2000x16xf32>,
    return
  }
  func.func @transform_0(%arg0: i32) -> (i32, i32) {
    %c0_i32 = arith.constant 0 : i32
    %c0_i32_0 = arith.constant 0 : i32
    return %arg0, %c0_i32 : i32, i32
  }
  func.func @transform_1(%arg0: i32) -> (i32, i32) {
    %c0_i32 = arith.constant 0 : i32
    %c0_i32_0 = arith.constant 0 : i32
    return %arg0, %c0_i32 : i32, i32
  }
  func.func @transform_2(%arg0: i32) -> (i32, i32) {
    %c0_i32 = arith.constant 0 : i32
    %c0_i32_0 = arith.constant 0 : i32
    %c0_i32_1 = arith.constant 0 : i32
    return %c0_i32, %c0_i32_0 : i32, i32
  }
  func.func @transform_3(%arg0: i32) -> (i32, i32) {
    %c0_i32 = arith.constant 0 : i32
    %c0_i32_0 = arith.constant 0 : i32
    %c0_i32_1 = arith.constant 0 : i32
    return %c0_i32, %c0_i32_0 : i32, i32
  }
  func.func @transform_4(%arg0: i32) -> (i32, i32) {
    %c0_i32 = arith.constant 0 : i32
    %c0_i32_0 = arith.constant 0 : i32
    %c0_i32_1 = arith.constant 0 : i32
    return %c0_i32, %c0_i32_0 : i32, i32
  }
  func.func @transform_5(%arg0: i32) -> (i32, i32) {
    %c0_i32 = arith.constant 0 : i32
    %c0_i32_0 = arith.constant 0 : i32
    %c0_i32_1 = arith.constant 0 : i32
    return %c0_i32, %c0_i32_0 : i32, i32
  }
  func.func @transform_6(%arg0: i32) -> (i32, i32) {
    %c0_i32 = arith.constant 0 : i32
    %c0_i32_0 = arith.constant 0 : i32
    %c0_i32_1 = arith.constant 0 : i32
    return %c0_i32, %c0_i32_0 : i32, i32
  }
  func.func @transform_7(%arg0: i32) -> (i32, i32) {
    %c0_i32 = arith.constant 0 : i32
    %c0_i32_0 = arith.constant 0 : i32
    %c0_i32_1 = arith.constant 0 : i32
    return %c0_i32, %c0_i32_0 : i32, i32
  }
  func.func @transform_8(%arg0: i32) -> (i32, i32) {
    %c0_i32 = arith.constant 0 : i32
    %c0_i32_0 = arith.constant 0 : i32
    return %arg0, %c0_i32 : i32, i32
  }
  func.func @transform_9(%arg0: i32) -> (i32, i32) {
    %c0_i32 = arith.constant 0 : i32
    %c0_i32_0 = arith.constant 0 : i32
    return %arg0, %c0_i32 : i32, i32
  }
}

module attributes {stable_mosaic.version = 14 : i64} {
  func.func @_mean_body(%arg0: i32, %arg1: memref<2000x128xf32, #tpu.memory_space<vmem>>, %arg2: memref<2000x8xf32, #tpu.memory_space<vmem>>, %arg3: memref<2000x128xf32, #tpu.memory_space<vmem>>) attributes {dimension_semantics = [#tpu.dimension_semantics<arbitrary>], iteration_bounds = array<i64: 10>, scalar_prefetch = 0 : i64, scratch_operands = 0 : i64, tpu.core_type = #tpu.core_type<tc>, window_params = [{transform_indices = @transform_0, window_bounds = array<i64: 2000, 128>}, {transform_indices = @transform_1, window_bounds = array<i64: 2000, 8>}, {transform_indices = @transform_2, window_bounds = array<i64: 2000, 128>}]} {
    %get3A = arith.constant 0 : index
    %get3A_0 = arith.constant 0 : index
    %get3A_1 = vector.load %arg1[%get3A, %get3A_0] : memref<2000x128xf32, #tpu.memory_space<vmem>>, vector<2000x128xf32>
    %get3A_2 = arith.constant 0 : index
    %get3A_3 = arith.constant 0 : index
    %get3A_4 = vector.load %arg2[%get3A_2, %get3A_3] : memref<2000x8xf32, #tpu.memory_space<vmem>>, vector<2000x8xf32>
    %slice3A = vector.extract_strided_slice %get3A_4 {offsets = [0, 0], sizes = [2000, 1], strides = [1, 1]} : vector<2000x8xf32> to vector<2000x1xf32>
    %max3A = arith.constant 1.000000e+00 : f32
    %max3A_5 = vector.broadcast %max3A : f32 to vector<2000x1xf32>
    %max3A_6 = arith.maximumf %slice3A, %max3A_5 : vector<2000x1xf32>
    %div3A = vector.broadcast %max3A_6 : vector<2000x1xf32> to vector<2000x128xf32>
    %div3A_7 = arith.divf %get3A_1, %div3A : vector<2000x128xf32>
    %swap3A = arith.constant 0 : index
    %swap3A_8 = arith.constant 0 : index
    %swap3A_9 = vector.load %arg3[%swap3A, %swap3A_8] : memref<2000x128xf32, #tpu.memory_space<vmem>>, vector<2000x128xf32>
    tpu.vector_store %arg3[%swap3A, %swap3A_8], %div3A_7 {strides = array<i32>} : memref<2000x128xf32, #tpu.memory_space<vmem>>, vector<2000x128xf32>,
    return
  }
  func.func @transform_0(%arg0: i32) -> (i32, i32) {
    %c0_i32 = arith.constant 0 : i32
    %c0_i32_0 = arith.constant 0 : i32
    return %arg0, %c0_i32 : i32, i32
  }
  func.func @transform_1(%arg0: i32) -> (i32, i32) {
    %c0_i32 = arith.constant 0 : i32
    %c0_i32_0 = arith.constant 0 : i32
    return %arg0, %c0_i32 : i32, i32
  }
  func.func @transform_2(%arg0: i32) -> (i32, i32) {
    %c0_i32 = arith.constant 0 : i32
    %c0_i32_0 = arith.constant 0 : i32
    return %arg0, %c0_i32 : i32, i32
  }
}

</mosaic_0001>

<sc_bundles>
// kernel: kernel.10.cloned.1.call-start
scs
__scs_entry_jumppad:
0x0: {  	(pc) =	sbr.rel $0x88, $3  }
0x1: {  	(tag) =	ssettag $0x0;
	lr =	simm.s32 $0x1  }
0x2: {  	[smem:$0x3F97] =	sst lr;
	_ =	strace $0xD0000000  }
0x3: {  	_ = 	snop  }
0x4: {  	_ = 	snop  }
0x5: {  	_ = 	snop  }
0x6: {  	_ = 	snop  }
0x7: {  	_ = 	snop  }
__scs_overlays_trampoline_lowered:
0x8: {  	[smem:$0x3FA6] =	sst s0  }
0x9: {  	[smem:$0x3FA7] =	sst s1  }
0xa: {  	[smem:$0x3FA8] =	sst s2  }
0xb: {  	[smem:$0x3FA9] =	sst s3  }
0xc: {  	[smem:$0x3FAA] =	sst s4  }
0xd: {  	[smem:$0x3FAB] =	sst s5  }
0xe: {  	[smem:$0x3FAC] =	sst s6  }
0xf: {  	[smem:$0x3FAD] =	sst s7  }
0x10: {  	[smem:$0x3FAE] =	sst s8  }
0x11: {  	[smem:$0x3FAF] =	sst s9;
	s0 =	simm.s32 @!p0 $0x0  }
0x12: {  	s1 =	sld [smem:$0x3F95];
	s0 =	simm.s32 @p0 $0x1  }
0x13: {  	[smem:$0x3FB0] =	sst s0;
	s0 =	simm.s32 @!p1 $0x0  }
0x14: {  	s2 =	sld [smem:$0x3F94];
	s0 =	simm.s32 @p1 $0x1  }
0x15: {  	[smem:$0x3FB1] =	sst s0;
	s0 =	simm.s32 @!p2 $0x0  }
0x16: {  	s3 =	sld [smem:$0x3FDB];
	s0 =	simm.s32 @p2 $0x1  }
0x17: {  	s4 =	simm.s32 $0x1BF5;
	[smem:$0x3FB3] =	sst s0  }
0x18: {  	s0 =	sld [smem:$0x3F96];
	_ =	swait.ge [sflag:s4], $0x0  }
0x19: {  	s7 =	sld [smem:$0x3F97]  }
0x1a: {  	s8 =	sadd.s32 $0xFFFFE003, lr  }
0x1b: {  	s9 =	sadd.s32 $0xFFFFFEF7, lr;
	s5 =	simm.s32 $0xFFFFFFFF;
	p2 =	slt.u32 s8, $0xFFFFF086  }
0x1c: {  	p1 =	slt.u32 s9, $0xF7A;
	s5 =	simm.s32 @!p2 $0x0  }
0x1d: {  	s5 =	simm.s32 @p1 $0x1;
	p0 =	seq.s32 s7, s2  }
0x1e: {  	s7 =	smul.u32 @!p0 $0xF7A, s2;
	p2 =	seq.s32 @!p0 s5, $0x0  }
0x1f: {  	s9 =	smul.u32 $0xF7A, s1;
	s8 =	simm.s32 @!p0 $0x1BF5;
	p2 =	por !p2, p0  }
0x20: {  	[sflag:s8] =	ssyncset.s32 @!p0 $0xFFFFF086;
	s6 =	sadd.s32 @!p0 s3, s7;
	s7 =	simm.s32 @!p0 $0x108  }
0x21: {  	s3 =	sadd.s32 s3, s9;
	s6 =	sadd.s32 @!p0 $0x88, s6;
	s7 =	simm.s32 @p2 $0x1082  }
0x22: {  	[simem:s7], [sflag:s8] =	dma.local @!p0 [hbm:s6], $0xF7A  }
0x23: {  	s9 =	sor.u32 $0xD0000000, s2;
	s6 =	simm.s32 $0x108;
	_ =	swait.ge @!p0 [sflag:s8], $0x0  }
0x24: {  	s3 =	sadd.s32 $0x88, s3;
	s6 =	simm.s32 @!p1 $0x1082;
	[sflag:s4] =	ssyncset.s32 $0xFFFFF086  }
0x25: {  	[simem:s6], [sflag:s4] =	dma.local [hbm:s3], $0xF7A  }
0x26: {  	[smem:$0x3F97] =	sst s1;
	(tag) =	ssettag s2;
	_ =	strace s9  }
0x27: {  	s1 =	sld [smem:$0x3FA7]  }
0x28: {  	s2 =	sld [smem:$0x3FA8]  }
0x29: {  	s4 =	sld [smem:$0x3FAA]  }
0x2a: {  	p0 =	seq.s32 s5, $0x0;
	s5 =	sld [smem:$0x3FAB]  }
0x2b: {  	s6 =	sld [smem:$0x3FAC]  }
0x2c: {  	s7 =	sld [smem:$0x3FAD]  }
0x2d: {  	s3 =	simm.s32 $0x108;
	s8 =	sld [smem:$0x3FAE]  }
0x2e: {  	s3 =	simm.s32 @!p0 $0x1082;
	s9 =	sld [smem:$0x3FAF]  }
0x2f: {  	lr =	sadd.s32 s0, s3;
	s0 =	sld [smem:$0x3FA6]  }
0x30: {  	s3 =	sld [smem:$0x3FA9]  }
0x31: {  	[smem:$0x3FB2] =	sst s10  }
0x32: {  	s10 =	sld [smem:$0x3FB0];
	_ =	sdelay $0x3  }
0x33: {  	p0 =	seq.s32 s10, $0x1;
	s10 =	sld [smem:$0x3FB2];
	_ =	sdelay $0x3  }
0x34: {  	[smem:$0x3FB2] =	sst s10  }
0x35: {  	s10 =	sld [smem:$0x3FB1];
	_ =	sdelay $0x3  }
0x36: {  	p1 =	seq.s32 s10, $0x1;
	s10 =	sld [smem:$0x3FB2];
	_ =	sdelay $0x3  }
0x37: {  	[smem:$0x3FB2] =	sst s10  }
0x38: {  	s10 =	sld [smem:$0x3FB3]  }
0x39: {  	_ = 	snop;
	(pc) =	sbr.ind lr, $3  }
0x3a: {  	_ = 	snop  }
0x3b: {  	_ = 	snop  }
0x3c: {  	p2 =	seq.s32 s10, $0x1;
	s10 =	sld [smem:$0x3FB2]  }
0x3d: {  	_ =	shalt  }
0x3e: {  	_ =	shalt  }
0x3f: {  	_ =	shalt  }
0x40: {  	_ =	shalt  }
0x41: {  	_ =	shalt  }
0x42: {  	_ =	shalt  }
0x43: {  	_ =	shalt  }
0x44: {  	_ =	shalt  }
0x45: {  	_ =	shalt  }
0x46: {  	_ =	shalt  }
0x47: {  	_ =	shalt  }
0x48: {  	_ =	shalt  }
0x49: {  	_ =	shalt  }
0x4a: {  	_ =	shalt  }
0x4b: {  	_ =	shalt  }
0x4c: {  	_ =	shalt  }
0x4d: {  	_ =	shalt  }
0x4e: {  	_ =	shalt  }
0x4f: {  	_ =	shalt  }
0x50: {  	_ =	shalt  }
0x51: {  	_ =	shalt  }
0x52: {  	_ =	shalt  }
0x53: {  	_ =	shalt  }
0x54: {  	_ =	shalt  }
0x55: {  	_ =	shalt  }
0x56: {  	_ =	shalt  }
0x57: {  	_ =	shalt  }
0x58: {  	_ =	shalt  }
0x59: {  	_ =	shalt  }
0x5a: {  	_ =	shalt  }
0x5b: {  	_ =	shalt  }
0x5c: {  	_ =	shalt  }
0x5d: {  	_ =	shalt  }
0x5e: {  	_ =	shalt  }
0x5f: {  	_ =	shalt  }
0x60: {  	_ =	shalt  }
0x61: {  	_ =	shalt  }
0x62: {  	_ =	shalt  }
0x63: {  	_ =	shalt  }
0x64: {  	_ =	shalt  }
0x65: {  	_ =	shalt  }
0x66: {  	_ =	shalt  }
0x67: {  	_ =	shalt  }
0x68: {  	_ =	shalt  }
0x69: {  	_ =	shalt  }
0x6a: {  	_ =	shalt  }
0x6b: {  	_ =	shalt  }
0x6c: {  	_ =	shalt  }
0x6d: {  	_ =	shalt  }
0x6e: {  	_ =	shalt  }
0x6f: {  	_ =	shalt  }
0x70: {  	_ =	shalt  }
0x71: {  	_ =	shalt  }
0x72: {  	_ =	shalt  }
0x73: {  	_ =	shalt  }
0x74: {  	_ =	shalt  }
0x75: {  	_ =	shalt  }
0x76: {  	_ =	shalt  }
0x77: {  	_ =	shalt  }
0x78: {  	_ =	shalt  }
0x79: {  	_ =	shalt  }
0x7a: {  	_ =	shalt  }
0x7b: {  	_ =	shalt  }
0x7c: {  	_ =	shalt  }
0x7d: {  	_ =	shalt  }
0x7e: {  	_ =	shalt  }
0x7f: {  	_ =	shalt  }
0x80: {  	_ =	shalt  }
0x81: {  	_ =	shalt  }
0x82: {  	_ =	shalt  }
0x83: {  	_ =	shalt  }
0x84: {  	_ =	shalt  }
0x85: {  	_ =	shalt  }
0x86: {  	_ =	shalt  }
0x87: {  	_ =	shalt  }
.Lfunc_end0:
.L_simem_size_0:
called_computation.2_lowered:
.L_overlay_start_0:
0x88: {  	s2 =	sld [smem:$0x3FD9]  }
0x89: {  	s3 =	sld [smem:$0x3FFE];
	_ =	sdelay $0x1  }
0x8a: {  	s1 =	srdreg.scid  }
0x8b: {  	s0 =	sand.u32 $0x1, s1  }
0x8c: {  	s15 =	sshll.u32 s0, $0xA;
	s2 =	sadd.s32 s3, s2  }
0x8d: {  	s2 =	sadd.s32 s2, s15  }
0x8e: {  	[smem:$0x3FBE] =	sst s2  }
0x8f: {  	_ = 	snop  }
0x90: {  	s2 =	sld [smem:$0x3FD0];
	_ =	sdelay $0x2  }
0x91: {  	s16 =	simm.s32 $0xB;
	s4 =	simm.s32 $0x10  }
0x92: {  	[smem:s4], [sflag:s16] =	dma.local [hbm:s2], $0x1  }
0x93: {  	_ =	swait.eq [sflag:s16], $0x1  }
0x94: {  	[sflag:s16] =	ssyncset.done $0x0  }
0x95: {  	[sflag:s16] =	ssyncadd.s32 $0xFFFFFFFF  }
0x96: {  	s17 =	sld [smem:$0x10];
	(tm) =	ssettm $0x1  }
0x97: {  	s18 =	sld [smem:$0x3FFB];
	_ =	sdelay $0x3  }
0x98: {  	_ =	strace s18  }
0x99: {  	s2 =	sld [smem:$0x3FFC];
	_ =	sdelay $0x3  }
0x9a: {  	_ =	strace s2  }
0x9b: {  	s2 =	sld [smem:$0x3FFD];
	_ =	sdelay $0x3  }
0x9c: {  	_ =	strace s2  }
0x9d: {  	_ =	strace $0x8FFFFFFF  }
0x9e: {  	s19 =	sld [smem:$0x3FDB];
	_ =	sdelay $0x1  }
0x9f: {  	s20 =	simm.s32 $_scs_section_size  }
0xa0: {  	s5 =	simm.s32 $_size__tile_overlayer_lowered;
	s6 =	simm.s32 $_tile_overlayer_lowered  }
0xa1: {  	s7 =	simm.s32 $0x1BFF;
	s21 =	sshll.u32 s6, $0x1;
	s4 =	sadd.s32 s20, s19  }
0xa2: {  	s22 =	simm.s32 $0x0;
	s5 =	sshll.u32 s5, $0x1;
	s6 =	sadd.s32 s21, s4  }
0xa3: {  	[timem:s22], [sflag:s7] =	dma.local [hbm:s6], s5  }
0xa4: {  	_ =	swait.ge [sflag:s7], s5  }
0xa5: {  	s5 =	ssub.s32 $0x0, s5;
	[sflag:s7] =	ssyncset.done $0x0  }
0xa6: {  	[sflag:s7] =	ssyncadd.s32 s5;
	_ =	sdelay $0x1  }
0xa7: {  	s23 =	simm.s32 $0x1B8B  }
0xa8: {  	_ =	swait.ge [sflag:s23], $0x1  }
0xa9: {  	[sflag:s23] =	ssyncset.done $0x0  }
0xaa: {  	[sflag:s23] =	ssyncadd.s32 $0xFFFFFFFF  }
0xab: {  	s5 =	sld [smem:$0x0]  }
0xac: {  	s6 =	sand.u32 $0xFFFFFFFE, s1  }
0xad: {  	p0 =	sne.s32 s1, s6  }
0xae: {  	s6 =	sshll.u32 @p0 s6, $0xE  }
0xaf: {  	s6 =	sadd.s32 @p0 $0x11B8D, s6;
	s7 =	sshll.u32 @p0 s5, $0x11  }
0xb0: {  	s6 =	sor.u32 @p0 s7, s6  }
0xb1: {  	[sflag:s6] =	ssyncadd.remote.s32 @p0 $0x1;
	_ =	sdelay $0x1  }
0xb2: {  	s6 =	simm.s32 @p0 $0x1B8D  }
0xb3: {  	_ =	swait.eq @p0 [sflag:s6], $0x1  }
0xb4: {  	[sflag:s6] =	ssyncadd.s32 @p0 $0xFFFFFFFF  }
0xb5: {  	s7 =	sshll.u32 @!p0 s1, $0xE  }
0xb6: {  	s7 =	sor.u32 @!p0 $0x4000, s7;
	s6 =	simm.s32 @!p0 $0x1B8D  }
0xb7: {  	s5 =	sshll.u32 @!p0 s5, $0x11;
	s7 =	sadd.s32 @!p0 $0x11B8D, s7;
	_ =	swait.eq @!p0 [sflag:s6], $0x1  }
0xb8: {  	s5 =	sor.u32 @!p0 s5, s7;
	[sflag:s6] =	ssyncadd.s32 @!p0 $0xFFFFFFFF  }
0xb9: {  	s25 =	simm.s32 $0x1B8E;
	s24 =	sld [smem:$0x3FFE];
	[sflag:s5] =	ssyncadd.remote.s32 @!p0 $0x1  }
0xba: {  	s26 =	simm.s32 $execute0_lowered;
	[smem:$0x3FD2] =	sst s25  }
0xbb: {  	s6 =	sshll.u32 s26, $0x1;
	_ =	strace $0x8000004C;
	[dreg:$0x1] =	wrdreg $0xFFFFFFFF  }
0xbc: {  	s28 =	simm.s32 $_size_execute0_lowered;
	s4 =	sadd.s32 s4, s6;
	[dreg:$0x0] =	wrdreg $0x0  }
0xbd: {  	s6 =	sshll.u32 s28, $0x1;
	[dreg:$0x2] =	wrdreg s4  }
0xbe: {  	[dreg:$0x3] =	wrdreg s6  }
0xbf: {  	[dreg:$0x4] =	wrdreg $0xC0  }
0xc0: {  	_ =	task [dreg:s22], $0x5FFFF  }
0xc1: {  	[dreg:$0x1] =	wrdreg $0xFFFFFFFF  }
0xc2: {  	[dreg:$0x0] =	wrdreg $0x60  }
0xc3: {  	[dreg:$0x2] =	wrdreg s24  }
0xc4: {  	[dreg:$0x3] =	wrdreg s17  }
0xc5: {  	[dreg:$0x4] =	wrdreg $0x79000  }
0xc6: {  	[dreg:$0x5] =	wrdreg $0xA  }
0xc7: {  	_ =	task.clear_ibuf [dreg:s22], $0x6FFFF;
	_ =	strace $0x9000004C  }
0xc8: {  	s29 =	simm.s32 $0xA;
	_ =	strace $0x8000004E  }
0xc9: {  	_ =	swait.ge [sflag:s29], $0x1  }
0xca: {  	[sflag:s29] =	ssyncadd.s32 $0xFFFFFFFF  }
0xcb: {  	_ =	strace $0x9000004E  }
0xcc: {  	_ =	sfence  }
0xcd: {  	s30 =	sld [smem:$0x0];
	_ =	sdelay $0x2  }
0xce: {  	s31 =	sshll.u32 s1, $0xD;
	s1 =	sshrl.u32 s1, $0x2  }
0xcf: {  	s4 =	sand.u32 $0x4000, s31;
	s1 =	sadd.s32 s1, s30  }
0xd0: {  	s0 =	sor.u32 s4, s0;
	s1 =	sshll.u32 s1, $0x11  }
0xd1: {  	s0 =	sor.u32 s1, s0  }
0xd2: {  	s0 =	sadd.s32 $0x8F2B, s0  }
0xd3: {  	[sflag:s0] =	ssyncadd.remote.s32 $0x1  }
0xd4: {  	_ =	sfence.sel $0xFFFF  }
0xd5: {  	[dreg:$0x0] =	wrdreg $0xFFFFFFFF;
	(pc) =	sbr.abs _section_cstart, $3  }
0xd6: {  	[dreg:$0x1] =	wrdreg $0xFFFFFFFF  }
0xd7: {  	_ =	task.clear_ibuf [dreg:s22], $0x2FFFF;
	_ =	strace $0x9FFFFFFF  }
0xd8: {  	(tm) =	ssettm $0x7FFFFFFF  }
0xd9: {  	_ =	shalt  }
tec
execute0_lowered:
.L_overlay_start_1:
0x0: {  	(tag) =	ssettag $0x1  }
0x1: {  	s20 =	stileid.u32  }
0x2: {  	s0 =	srdreg.scid;
	s4 =	smul.u32 $0x280, s20  }
0x3: {  	s2 =	rddreg [dreg:$0x0];
	s0 =	sand.u32 $0x1, s0;
	s5 =	smul.u32 $0x190, s20  }
0x4: {  	s6 =	sadd.s32 $0x3000, s2;
	s28 =	sadd.s32 $0x3600, s2;
	s7 =	smul.u32 $0x2710, s0  }
0x5: {  	p0 =	sgt.u32 s20, $0x8;
	s1 =	ssub.s32 $0x2, s0;
	s29 =	smul.u32 $0x3E, s0  }
0x6: {  	s3 =	sshrl.u32 s1, $0x1;
	s8 =	sadd.s32 $0x1900, s5;
	s10 =	sshrl.u32 s4, $0x3  }
0x7: {  	s11 =	sshrl.u32 s5, $0x3;
	s9 =	sadd.s32 $0x50, s5;
	s18 =	sadd.s32 $0x19A0, s5  }
0x8: {  	s3 =	ssub.s32 s1, s3;
	s1 =	sadd.s32 s6, s10;
	s4 =	sadd.s32 s6, s11  }
0x9: {  	s12 =	sshrl.u32 s9, $0x3;
	s10 =	sadd.s32 $0xA0, s5;
	s11 =	sadd.s32 $0xF0, s5  }
0xa: {  	s16 =	sshrl.u32 s8, $0x3;
	s19 =	sshrl.u32 s18, $0x3;
	s22 =	sadd.s32 s7, s9  }
0xb: {  	s8 =	sadd.s32 s7, s8;
	[dreg:$0x4] =	wrdreg s4;
	s4 =	sadd.s32 s6, s12  }
0xc: {  	s13 =	sshrl.u32 s10, $0x3;
	s14 =	sshrl.u32 s11, $0x3;
	s12 =	sadd.s32 $0x140, s5  }
0xd: {  	s23 =	sadd.s32 s7, s10;
	s24 =	sadd.s32 s7, s11;
	s26 =	sshll.u32 s22, $0x4  }
0xe: {  	s22 =	smul.u32 $0x4E20, s20;
	s30 =	smax.u32 s3, $0x1;
	s3 =	simm.s32 $0x1  }
0xf: {  	[dreg:$0x5] =	wrdreg s4;
	s4 =	sadd.s32 s6, s13;
	s15 =	sshrl.u32 s12, $0x3  }
0x10: {  	s13 =	sadd.s32 $0x1950, s5;
	s25 =	sadd.s32 s7, s12;
	s12 =	simm.s32 $0x0  }
0x11: {  	s9 =	sshll.u32 s24, $0x4;
	s24 =	smul.u32 $0x26C00, s0;
	[dreg:$0x6] =	wrdreg s4  }
0x12: {  	s4 =	sadd.s32 s6, s14;
	s14 =	sshrl.u32 s13, $0x3;
	[smem:$0x7FF] =	sst s12  }
0x13: {  	s13 =	sadd.s32 s7, s13;
	[dreg:$0x7] =	wrdreg s4;
	s4 =	sadd.s32 s6, s15  }
0x14: {  	s17 =	sadd.s32 s6, s14;
	s14 =	sadd.s32 s6, s19;
	s19 =	rddreg [dreg:$0x1]  }
0x15: {  	s11 =	sshll.u32 s25, $0x4;
	s15 =	sadd.s32 $0x19F0, s5;
	[dreg:$0x8] =	wrdreg s4  }
0x16: {  	s4 =	sadd.s32 s6, s16;
	[dreg:$0xa] =	wrdreg s17;
	s16 =	sadd.s32 $0x1A40, s5  }
0x17: {  	[dreg:$0xb] =	wrdreg s14;
	s21 =	sshrl.u32 s15, $0x3;
	s5 =	sadd.s32 s7, s5  }
0x18: {  	s10 =	sadd.s32 s19, s9;
	s9 =	sadd.s32 $0x32, s1;
	[dreg:$0x9] =	wrdreg s4  }
0x19: {  	s17 =	sshrl.u32 s16, $0x3;
	s14 =	sadd.s32 s6, s21;
	s4 =	sadd.s32 s7, s18  }
0x1a: {  	s18 =	sadd.s32 s7, s15;
	s7 =	sadd.s32 s7, s16;
	s5 =	sshll.u32 s5, $0x4  }
0x1b: {  	[dreg:$0x11] =	wrdreg s10;
	s15 =	sshll.u32 s13, $0x4;
	s10 =	sadd.s32 $0x3C, s1  }
0x1c: {  	[dreg:$0xc] =	wrdreg s14;
	s6 =	sadd.s32 s6, s17;
	s5 =	sadd.s32 s19, s5  }
0x1d: {  	s14 =	sshll.u32 s8, $0x4;
	s16 =	sadd.s32 s19, s15;
	s17 =	smul.u32 $0x4E200, s20  }
0x1e: {  	s4 =	sshll.u32 s4, $0x4;
	s21 =	sshll.u32 s18, $0x4;
	[dreg:$0xd] =	wrdreg s6  }
0x1f: {  	s25 =	sshll.u32 s7, $0x4;
	s7 =	sadd.s32 $0x1E, s1;
	[dreg:$0xe] =	wrdreg s5  }
0x20: {  	s8 =	sadd.s32 $0x28, s1;
	s5 =	sadd.s32 s19, s26;
	[dreg:$0x14] =	wrdreg s16  }
0x21: {  	s18 =	simm.s32 $0x5100;
	s4 =	sadd.s32 s19, s4;
	[dreg:$0xf] =	wrdreg s5  }
0x22: {  	s6 =	sshll.u32 s23, $0x4;
	s23 =	sadd.s32 s19, s21;
	[dreg:$0x15] =	wrdreg s4  }
0x23: {  	s20 =	simm.s32 $0x50;
	s26 =	smul.u32 $0x508C0, s0;
	[dreg:$0x16] =	wrdreg s23  }
0x24: {  	s0 =	sadd.s32 $0x14, s1;
	s5 =	sadd.s32 s19, s6;
	s23 =	rddreg [dreg:$0x2]  }
0x25: {  	s21 =	simm.s32 $0x80;
	s6 =	sadd.s32 s19, s25;
	[dreg:$0x10] =	wrdreg s5  }
0x26: {  	s5 =	sadd.s32 s19, s11;
	[dreg:$0x17] =	wrdreg s6;
	s6 =	sadd.s32 s22, s26  }
.Ltmp0:
0x27: {  	s26 =	sadd.s32 $0x9F7E00, s2;
	s22 =	sadd.s32 $0xA, s1;
	(pc) =	sbr.rel .LBB2_1-.Ltmp0, $4  }
0x28: {  	s11 =	sadd.s32 $0x46, s1;
	[dreg:$0x12] =	wrdreg s5;
	s5 =	sadd.s32 s19, s14  }
0x29: {  	s19 =	simm.s32 $0x2;
	[dreg:$0x13] =	wrdreg s5;
	s5 =	sadd.s32 s17, s2  }
0x2a: {  	s2 =	simm.s32 $0x2900;
	s4 =	sadd.s32 s24, s5;
	_ =	strace $0x8000004D  }
0x2b: {  	s24 =	simm.s32 $0x100;
	s31 =	sadd.s32 $0xEED800, s4;
	s4 =	simm.s32 $0x0  }
.LBB2_5:
0x2c: {  	s4 =	sadd.s32 $0x1, s4  }
0x2d: {  	p1 =	sne.s32 s4, s30  }
.Ltmp1:
0x2e: {  	_ = 	snop;
	(pc) =	sbr.rel @!p1 .LBB2_6-.Ltmp1, $1  }
0x2f: {  	_ =	sdelay $0x3  }
.LBB2_1:
0x30: {  	[tilespmem:s18], [sflag:$0x2] =	stream.linear.gather [hbm4b:s28+s12], $0x2800, $0x38;
	[tilespmem:$0x1B900] =	vst v63  }
0x31: {  	_ =	swait.ge [sflag:s19], $0x2800  }
0x32: {  	[sflag:s19] =	ssyncset.done $0x0  }
0x33: {  	[sflag:s19] =	ssyncadd.s32 $0xFFFFD800  }
0x34: {  	[tilespmem:s12], [sflag:$0x2] =	stream.linear.gather [hbm4b:s1+s12], $0x50, $0x38;
	[tilespmem:$0x1B900] =	vst v63  }
0x35: {  	_ =	swait.ge [sflag:s19], $0x50  }
0x36: {  	[sflag:s19] =	ssyncset.done $0x0  }
0x37: {  	[sflag:s19] =	ssyncadd.s32 $0xFFFFFFB0  }
0x38: {  	[spmem:s23] =	stream.indirect.scatter [tilespmem:s18], [sflag:$0x2], $0x80, s12, s20, $0xb8;
	[tilespmem:$0x1B900] =	vst v63  }
0x39: {  	_ =	swait.ge [sflag:s19], $0x2800  }
0x3a: {  	[sflag:s19] =	ssyncset.done $0x0  }
0x3b: {  	[sflag:s19] =	ssyncadd.s32 $0xFFFFD800  }
0x3c: {  	[tilespmem:s12], [sflag:$0x2] =	stream.linear.gather [hbm4b:s22+s12], $0x50, $0x38;
	[tilespmem:$0x1B900] =	vst v63  }
0x3d: {  	_ =	swait.ge [sflag:s19], $0x50  }
0x3e: {  	[sflag:s19] =	ssyncset.done $0x0  }
0x3f: {  	[sflag:s19] =	ssyncadd.s32 $0xFFFFFFB0  }
0x40: {  	[spmem:s23] =	stream.indirect.scatter [tilespmem:s18], [sflag:$0x2], $0x80, s12, s20, $0xb8;
	[tilespmem:$0x1B900] =	vst v63  }
0x41: {  	_ =	swait.ge [sflag:s19], $0x2800  }
0x42: {  	[sflag:s19] =	ssyncset.done $0x0  }
0x43: {  	[sflag:s19] =	ssyncadd.s32 $0xFFFFD800  }
0x44: {  	[tilespmem:s12], [sflag:$0x2] =	stream.linear.gather [hbm4b:s0+s12], $0x50, $0x38;
	[tilespmem:$0x1B900] =	vst v63  }
0x45: {  	_ =	swait.ge [sflag:s19], $0x50  }
0x46: {  	[sflag:s19] =	ssyncset.done $0x0  }
0x47: {  	[sflag:s19] =	ssyncadd.s32 $0xFFFFFFB0  }
0x48: {  	[spmem:s23] =	stream.indirect.scatter [tilespmem:s18], [sflag:$0x2], $0x80, s12, s20, $0xb8;
	[tilespmem:$0x1B900] =	vst v63  }
0x49: {  	_ =	swait.ge [sflag:s19], $0x2800  }
0x4a: {  	[sflag:s19] =	ssyncset.done $0x0  }
0x4b: {  	[sflag:s19] =	ssyncadd.s32 $0xFFFFD800  }
0x4c: {  	[tilespmem:s12], [sflag:$0x2] =	stream.linear.gather [hbm4b:s7+s12], $0x50, $0x38;
	[tilespmem:$0x1B900] =	vst v63  }
0x4d: {  	_ =	swait.ge [sflag:s19], $0x50  }
0x4e: {  	[sflag:s19] =	ssyncset.done $0x0  }
0x4f: {  	[sflag:s19] =	ssyncadd.s32 $0xFFFFFFB0  }
0x50: {  	[spmem:s23] =	stream.indirect.scatter [tilespmem:s18], [sflag:$0x2], $0x80, s12, s20, $0xb8;
	[tilespmem:$0x1B900] =	vst v63  }
0x51: {  	_ =	swait.ge [sflag:s19], $0x2800  }
0x52: {  	[sflag:s19] =	ssyncset.done $0x0  }
0x53: {  	[sflag:s19] =	ssyncadd.s32 $0xFFFFD800  }
0x54: {  	[tilespmem:s12], [sflag:$0x2] =	stream.linear.gather [hbm4b:s8+s12], $0x50, $0x38;
	[tilespmem:$0x1B900] =	vst v63  }
0x55: {  	_ =	swait.ge [sflag:s19], $0x50  }
0x56: {  	[sflag:s19] =	ssyncset.done $0x0  }
0x57: {  	[sflag:s19] =	ssyncadd.s32 $0xFFFFFFB0  }
0x58: {  	[spmem:s23] =	stream.indirect.scatter [tilespmem:s18], [sflag:$0x2], $0x80, s12, s20, $0xb8;
	[tilespmem:$0x1B900] =	vst v63  }
0x59: {  	_ =	swait.ge [sflag:s19], $0x2800  }
0x5a: {  	[sflag:s19] =	ssyncset.done $0x0  }
0x5b: {  	[sflag:s19] =	ssyncadd.s32 $0xFFFFD800  }
0x5c: {  	[tilespmem:s12], [sflag:$0x2] =	stream.linear.gather [hbm4b:s9+s12], $0x50, $0x38;
	[tilespmem:$0x1B900] =	vst v63  }
0x5d: {  	_ =	swait.ge [sflag:s19], $0x50  }
0x5e: {  	[sflag:s19] =	ssyncset.done $0x0  }
0x5f: {  	[sflag:s19] =	ssyncadd.s32 $0xFFFFFFB0  }
0x60: {  	[spmem:s23] =	stream.indirect.scatter [tilespmem:s18], [sflag:$0x2], $0x80, s12, s20, $0xb8;
	[tilespmem:$0x1B900] =	vst v63  }
0x61: {  	_ =	swait.ge [sflag:s19], $0x2800  }
0x62: {  	[sflag:s19] =	ssyncset.done $0x0  }
0x63: {  	[sflag:s19] =	ssyncadd.s32 $0xFFFFD800  }
0x64: {  	[tilespmem:s12], [sflag:$0x2] =	stream.linear.gather [hbm4b:s10+s12], $0x50, $0x38;
	[tilespmem:$0x1B900] =	vst v63  }
0x65: {  	_ =	swait.ge [sflag:s19], $0x50  }
0x66: {  	[sflag:s19] =	ssyncset.done $0x0  }
0x67: {  	[sflag:s19] =	ssyncadd.s32 $0xFFFFFFB0  }
0x68: {  	[spmem:s23] =	stream.indirect.scatter [tilespmem:s18], [sflag:$0x2], $0x80, s12, s20, $0xb8;
	[tilespmem:$0x1B900] =	vst v63  }
0x69: {  	_ =	swait.ge [sflag:s19], $0x2800  }
0x6a: {  	[sflag:s19] =	ssyncset.done $0x0  }
0x6b: {  	s5 =	smulhi.u32 $0x10624DD3, s29;
	[sflag:s19] =	ssyncadd.s32 $0xFFFFD800  }
0x6c: {  	[tilespmem:s12], [sflag:$0x2] =	stream.linear.gather [hbm4b:s11+s12], $0x50, $0x38;
	[tilespmem:$0x1B900] =	vst v63  }
0x6d: {  	_ =	swait.ge [sflag:s19], $0x50  }
0x6e: {  	s5 =	sshrl.u32 s5, $0x3;
	[sflag:s19] =	ssyncset.done $0x0  }
0x6f: {  	s13 =	smul.u32 $0x4E20, s5;
	[sflag:s19] =	ssyncadd.s32 $0xFFFFFFB0  }
0x70: {  	[spmem:s23] =	stream.indirect.scatter [tilespmem:s18], [sflag:$0x2], $0x80, s12, s20, $0xb8;
	[tilespmem:$0x1B900] =	vst v63  }
0x71: {  	_ =	swait.ge [sflag:s19], $0x2800  }
0x72: {  	s13 =	ssub.s32 s6, s13;
	[sflag:s19] =	ssyncset.done $0x0  }
0x73: {  	s25 =	sshrl.u32 s13, $0x3;
	[sflag:s19] =	ssyncadd.s32 $0xFFFFD800  }
0x74: {  	s25 =	sadd.s32 s26, s25;
	[bflag:$0x0] =	sbarrier.arrive $0xFFFF  }
0x75: {  	[tilespmem:s12], [sflag:$0x2] =	stream.linear.gather [hbm4b:s25+s12], $0x50, $0x38;
	[tilespmem:$0x1B900] =	vst v63  }
0x76: {  	s13 =	sadd.s32 $0x50, s13;
	_ =	swait.ge [sflag:s19], $0x50  }
0x77: {  	s13 =	sshrl.u32 s13, $0x3;
	[sflag:s19] =	ssyncset.done $0x0  }
0x78: {  	s5 =	smul.u32 $0x4E200, s5;
	s13 =	sadd.s32 s26, s13;
	[sflag:s19] =	ssyncadd.s32 $0xFFFFFFB0  }
0x79: {  	[tilespmem:s21], [sflag:$0x2] =	stream.linear.gather [hbm4b:s13+s12], $0x50, $0x38;
	[tilespmem:$0x1B900] =	vst v63  }
0x7a: {  	_ =	swait.ge [sflag:s19], $0x50  }
0x7b: {  	s5 =	ssub.s32 s31, s5;
	[sflag:s19] =	ssyncset.done $0x0  }
0x7c: {  	s5 =	sadd.s32 $0x0, s5;
	[sflag:s19] =	ssyncadd.s32 $0xFFFFFFB0  }
0x7d: {  	[tilespmem:s24], [sflag:$0x2] =	stream.linear.gather [hbm4b:s5+s12], $0x2800, $0x38;
	[tilespmem:$0x1B900] =	vst v63  }
0x7e: {  	_ =	swait.ge [sflag:s19], $0x2800  }
0x7f: {  	[sflag:s19] =	ssyncset.done $0x0  }
0x80: {  	s5 =	sadd.s32 $0x500, s5;
	[sflag:s19] =	ssyncadd.s32 $0xFFFFD800  }
0x81: {  	[tilespmem:s2], [sflag:$0x2] =	stream.linear.gather [hbm4b:s5+s12], $0x2800, $0x38;
	[tilespmem:$0x1B900] =	vst v63  }
0x82: {  	s25 =	smov.u32 s6;
	_ =	swait.ge [sflag:s19], $0x2800  }
0x83: {  	s13 =	simm.s32 $0xA00;
	s5 =	sadd.s32 $0x1, s29;
	[sflag:s19] =	ssyncset.done $0x0  }
.LBB2_2:
0x84: {  	s14 =	smulhi.u32 $0x10624DD3, s5  }
0x85: {  	[sflag:s19] =	ssyncadd.s32 $0xFFFFD800;
	s15 =	smov.u32 s13;
	s16 =	sadd.s32 $0xA00, s13  }
0x86: {  	[spmem:s23] =	stream.indirect.scatter.add.f32 [tilespmem:s24], [sflag:$0x2], $0x80, s12, s20, $0xb8;
	[tilespmem:$0x1B900] =	vst v63  }
0x87: {  	p1 =	sne.s32 s13, $0x4D800;
	s14 =	sshrl.u32 s14, $0x3;
	_ =	swait.ge [sflag:s19], $0x2800  }
0x88: {  	s13 =	smul.u32 $0x4E200, s14;
	[sflag:s19] =	ssyncset.done $0x0  }
0x89: {  	s25 =	sadd.s32 $0xA0, s25;
	s14 =	smul.u32 $0x4E20, s14;
	[sflag:s19] =	ssyncadd.s32 $0xFFFFD800  }
0x8a: {  	[spmem:s23] =	stream.indirect.scatter.add.f32 [tilespmem:s2], [sflag:$0x2], $0x80, s21, s20, $0xb8;
	[tilespmem:$0x1B900] =	vst v63  }
0x8b: {  	s13 =	ssub.s32 s31, s13;
	s14 =	ssub.s32 s25, s14;
	_ =	swait.ge [sflag:s19], $0x2800  }
0x8c: {  	s17 =	sshrl.u32 s14, $0x3;
	s14 =	sadd.s32 $0x50, s14;
	[sflag:s19] =	ssyncset.done $0x0  }
0x8d: {  	s17 =	sadd.s32 s26, s17;
	s14 =	sshrl.u32 s14, $0x3;
	[sflag:s19] =	ssyncadd.s32 $0xFFFFD800  }
0x8e: {  	[tilespmem:s12], [sflag:$0x2] =	stream.linear.gather [hbm4b:s17+s12], $0x50, $0x38;
	[tilespmem:$0x1B900] =	vst v63  }
0x8f: {  	_ =	swait.ge [sflag:s19], $0x50  }
0x90: {  	[sflag:s19] =	ssyncset.done $0x0  }
0x91: {  	s14 =	sadd.s32 s26, s14;
	[sflag:s19] =	ssyncadd.s32 $0xFFFFFFB0  }
0x92: {  	[tilespmem:s21], [sflag:$0x2] =	stream.linear.gather [hbm4b:s14+s12], $0x50, $0x38;
	[tilespmem:$0x1B900] =	vst v63  }
0x93: {  	_ =	swait.ge [sflag:s19], $0x50  }
0x94: {  	[sflag:s19] =	ssyncset.done $0x0  }
0x95: {  	s13 =	sadd.s32 s13, s15;
	[sflag:s19] =	ssyncadd.s32 $0xFFFFFFB0  }
0x96: {  	[tilespmem:s24], [sflag:$0x2] =	stream.linear.gather [hbm4b:s13+s12], $0x2800, $0x38;
	[tilespmem:$0x1B900] =	vst v63  }
0x97: {  	_ =	swait.ge [sflag:s19], $0x2800  }
.Ltmp2:
0x98: {  	[sflag:s19] =	ssyncset.done $0x0;
	(pc) =	sbr.rel @p1 .LBB2_2-.Ltmp2, $4  }
0x99: {  	s13 =	sadd.s32 $0x500, s13;
	[sflag:s19] =	ssyncadd.s32 $0xFFFFD800  }
0x9a: {  	[tilespmem:s2], [sflag:$0x2] =	stream.linear.gather [hbm4b:s13+s12], $0x2800, $0x38;
	[tilespmem:$0x1B900] =	vst v63  }
0x9b: {  	_ =	swait.ge [sflag:s19], $0x2800  }
0x9c: {  	s5 =	sadd.s32 $0x1, s5;
	s13 =	smov.u32 s16;
	[sflag:s19] =	ssyncset.done $0x0  }
0x9d: {  	[sflag:s19] =	ssyncadd.s32 $0xFFFFD800  }
0x9e: {  	[spmem:s23] =	stream.indirect.scatter.add.f32 [tilespmem:s24], [sflag:$0x2], $0x80, s12, s20, $0xb8;
	[tilespmem:$0x1B900] =	vst v63  }
0x9f: {  	_ =	swait.ge [sflag:s19], $0x2800  }
0xa0: {  	[sflag:s19] =	ssyncset.done $0x0  }
0xa1: {  	[sflag:s19] =	ssyncadd.s32 $0xFFFFD800  }
0xa2: {  	[spmem:s23] =	stream.indirect.scatter.add.f32 [tilespmem:s2], [sflag:$0x2], $0x80, s21, s20, $0xb8;
	[tilespmem:$0x1B900] =	vst v63  }
0xa3: {  	_ =	swait.ge [sflag:s19], $0x2800  }
0xa4: {  	[sflag:s19] =	ssyncset.done $0x0  }
0xa5: {  	[sflag:s19] =	ssyncadd.s32 $0xFFFFD800  }
0xa6: {  	[bflag:$0x0] =	sbarrier.arrive $0xFFFF  }
0xa7: {  	s5 =	rddreg [dreg:$0x4]  }
0xa8: {  	[tilespmem:s12], [sflag:$0x2] =	stream.linear.gather [hbm4b:s5+s12], $0x50, $0x38;
	[tilespmem:$0x1B900] =	vst v63  }
0xa9: {  	_ =	swait.ge [sflag:s19], $0x50  }
0xaa: {  	[sflag:s19] =	ssyncset.done $0x0  }
0xab: {  	[sflag:s19] =	ssyncadd.s32 $0xFFFFFFB0  }
0xac: {  	[tilespmem:s24], [sflag:$0x1] =	stream.indirect.gather [spmem:s23], $0x80, s12, s20, $0xb8;
	[tilespmem:$0x1B900] =	vst v63  }
0xad: {  	_ =	swait.ge [sflag:s3], $0x2800  }
0xae: {  	[sflag:s3] =	ssyncset.done $0x0  }
0xaf: {  	s16 =	rddreg [dreg:$0xe];
	[sflag:s3] =	ssyncadd.s32 $0xFFFFD800  }
0xb0: {  	[hbm4b:s16+s12] =	stream.linear.scatter [tilespmem:s24], [sflag:$0x2], $0x2800, $0x38;
	[tilespmem:$0x1B900] =	vst v63  }
0xb1: {  	_ =	swait.ge [sflag:s19], $0x2800  }
0xb2: {  	[sflag:s19] =	ssyncset.done $0x0  }
0xb3: {  	s17 =	rddreg [dreg:$0x5];
	[sflag:s19] =	ssyncadd.s32 $0xFFFFD800  }
0xb4: {  	[tilespmem:s12], [sflag:$0x2] =	stream.linear.gather [hbm4b:s17+s12], $0x50, $0x38;
	[tilespmem:$0x1B900] =	vst v63  }
0xb5: {  	_ =	swait.ge [sflag:s19], $0x50  }
0xb6: {  	[sflag:s19] =	ssyncset.done $0x0  }
0xb7: {  	[sflag:s19] =	ssyncadd.s32 $0xFFFFFFB0  }
0xb8: {  	[tilespmem:s24], [sflag:$0x1] =	stream.indirect.gather [spmem:s23], $0x80, s12, s20, $0xb8;
	[tilespmem:$0x1B900] =	vst v63  }
0xb9: {  	_ =	swait.ge [sflag:s3], $0x2800  }
0xba: {  	[sflag:s3] =	ssyncset.done $0x0  }
0xbb: {  	s25 =	rddreg [dreg:$0xf];
	[sflag:s3] =	ssyncadd.s32 $0xFFFFD800  }
0xbc: {  	[hbm4b:s25+s12] =	stream.linear.scatter [tilespmem:s24], [sflag:$0x2], $0x2800, $0x38;
	[tilespmem:$0x1B900] =	vst v63  }
0xbd: {  	_ =	swait.ge [sflag:s19], $0x2800  }
0xbe: {  	[sflag:s19] =	ssyncset.done $0x0  }
0xbf: {  	s13 =	rddreg [dreg:$0x6];
	[sflag:s19] =	ssyncadd.s32 $0xFFFFD800  }
0xc0: {  	[tilespmem:s12], [sflag:$0x2] =	stream.linear.gather [hbm4b:s13+s12], $0x50, $0x38;
	[tilespmem:$0x1B900] =	vst v63  }
0xc1: {  	_ =	swait.ge [sflag:s19], $0x50  }
0xc2: {  	[sflag:s19] =	ssyncset.done $0x0  }
0xc3: {  	[sflag:s19] =	ssyncadd.s32 $0xFFFFFFB0  }
0xc4: {  	[tilespmem:s24], [sflag:$0x1] =	stream.indirect.gather [spmem:s23], $0x80, s12, s20, $0xb8;
	[tilespmem:$0x1B900] =	vst v63  }
0xc5: {  	_ =	swait.ge [sflag:s3], $0x2800  }
0xc6: {  	[sflag:s3] =	ssyncset.done $0x0  }
0xc7: {  	s14 =	rddreg [dreg:$0x10];
	[sflag:s3] =	ssyncadd.s32 $0xFFFFD800  }
0xc8: {  	[hbm4b:s14+s12] =	stream.linear.scatter [tilespmem:s24], [sflag:$0x2], $0x2800, $0x38;
	[tilespmem:$0x1B900] =	vst v63  }
0xc9: {  	_ =	swait.ge [sflag:s19], $0x2800  }
0xca: {  	[sflag:s19] =	ssyncset.done $0x0  }
0xcb: {  	s15 =	rddreg [dreg:$0x7];
	[sflag:s19] =	ssyncadd.s32 $0xFFFFD800  }
0xcc: {  	[tilespmem:s12], [sflag:$0x2] =	stream.linear.gather [hbm4b:s15+s12], $0x50, $0x38;
	[tilespmem:$0x1B900] =	vst v63  }
0xcd: {  	_ =	swait.ge [sflag:s19], $0x50  }
0xce: {  	[sflag:s19] =	ssyncset.done $0x0  }
0xcf: {  	[sflag:s19] =	ssyncadd.s32 $0xFFFFFFB0  }
0xd0: {  	[tilespmem:s24], [sflag:$0x1] =	stream.indirect.gather [spmem:s23], $0x80, s12, s20, $0xb8;
	[tilespmem:$0x1B900] =	vst v63  }
0xd1: {  	_ =	swait.ge [sflag:s3], $0x2800  }
0xd2: {  	[sflag:s3] =	ssyncset.done $0x0  }
0xd3: {  	s16 =	rddreg [dreg:$0x11];
	[sflag:s3] =	ssyncadd.s32 $0xFFFFD800  }
0xd4: {  	[hbm4b:s16+s12] =	stream.linear.scatter [tilespmem:s24], [sflag:$0x2], $0x2800, $0x38;
	[tilespmem:$0x1B900] =	vst v63  }
0xd5: {  	_ =	swait.ge [sflag:s19], $0x2800  }
0xd6: {  	[sflag:s19] =	ssyncset.done $0x0  }
0xd7: {  	s17 =	rddreg [dreg:$0x8];
	[sflag:s19] =	ssyncadd.s32 $0xFFFFD800  }
0xd8: {  	[tilespmem:s12], [sflag:$0x2] =	stream.linear.gather [hbm4b:s17+s12], $0x50, $0x38;
	[tilespmem:$0x1B900] =	vst v63  }
0xd9: {  	_ =	swait.ge [sflag:s19], $0x50  }
0xda: {  	[sflag:s19] =	ssyncset.done $0x0  }
0xdb: {  	[sflag:s19] =	ssyncadd.s32 $0xFFFFFFB0  }
0xdc: {  	[tilespmem:s24], [sflag:$0x1] =	stream.indirect.gather [spmem:s23], $0x80, s12, s20, $0xb8;
	[tilespmem:$0x1B900] =	vst v63  }
0xdd: {  	_ =	swait.ge [sflag:s3], $0x2800  }
0xde: {  	[sflag:s3] =	ssyncset.done $0x0  }
.Ltmp3:
0xdf: {  	s25 =	rddreg [dreg:$0x12];
	[sflag:s3] =	ssyncadd.s32 $0xFFFFD800;
	(pc) =	sbr.rel @p0 .LBB2_5-.Ltmp3, $4  }
0xe0: {  	[hbm4b:s25+s12] =	stream.linear.scatter [tilespmem:s24], [sflag:$0x2], $0x2800, $0x38;
	[tilespmem:$0x1B900] =	vst v63  }
0xe1: {  	_ =	swait.ge [sflag:s19], $0x2800  }
0xe2: {  	[sflag:s19] =	ssyncset.done $0x0  }
0xe3: {  	[sflag:s19] =	ssyncadd.s32 $0xFFFFD800  }
0xe4: {  	s5 =	rddreg [dreg:$0x9]  }
0xe5: {  	[tilespmem:s12], [sflag:$0x2] =	stream.linear.gather [hbm4b:s5+s12], $0x50, $0x38;
	[tilespmem:$0x1B900] =	vst v63  }
0xe6: {  	_ =	swait.ge [sflag:s19], $0x50  }
0xe7: {  	[sflag:s19] =	ssyncset.done $0x0  }
0xe8: {  	[sflag:s19] =	ssyncadd.s32 $0xFFFFFFB0  }
0xe9: {  	[tilespmem:s24], [sflag:$0x1] =	stream.indirect.gather [spmem:s23], $0x80, s12, s20, $0xb8;
	[tilespmem:$0x1B900] =	vst v63  }
0xea: {  	_ =	swait.ge [sflag:s3], $0x2800  }
0xeb: {  	[sflag:s3] =	ssyncset.done $0x0  }
0xec: {  	s16 =	rddreg [dreg:$0x13];
	[sflag:s3] =	ssyncadd.s32 $0xFFFFD800  }
0xed: {  	[hbm4b:s16+s12] =	stream.linear.scatter [tilespmem:s24], [sflag:$0x2], $0x2800, $0x38;
	[tilespmem:$0x1B900] =	vst v63  }
0xee: {  	_ =	swait.ge [sflag:s19], $0x2800  }
0xef: {  	[sflag:s19] =	ssyncset.done $0x0  }
0xf0: {  	s17 =	rddreg [dreg:$0xa];
	[sflag:s19] =	ssyncadd.s32 $0xFFFFD800  }
0xf1: {  	[tilespmem:s12], [sflag:$0x2] =	stream.linear.gather [hbm4b:s17+s12], $0x50, $0x38;
	[tilespmem:$0x1B900] =	vst v63  }
0xf2: {  	_ =	swait.ge [sflag:s19], $0x50  }
0xf3: {  	[sflag:s19] =	ssyncset.done $0x0  }
0xf4: {  	[sflag:s19] =	ssyncadd.s32 $0xFFFFFFB0  }
0xf5: {  	[tilespmem:s24], [sflag:$0x1] =	stream.indirect.gather [spmem:s23], $0x80, s12, s20, $0xb8;
	[tilespmem:$0x1B900] =	vst v63  }
0xf6: {  	_ =	swait.ge [sflag:s3], $0x2800  }
0xf7: {  	[sflag:s3] =	ssyncset.done $0x0  }
0xf8: {  	s25 =	rddreg [dreg:$0x14];
	[sflag:s3] =	ssyncadd.s32 $0xFFFFD800  }
0xf9: {  	[hbm4b:s25+s12] =	stream.linear.scatter [tilespmem:s24], [sflag:$0x2], $0x2800, $0x38;
	[tilespmem:$0x1B900] =	vst v63  }
0xfa: {  	_ =	swait.ge [sflag:s19], $0x2800  }
0xfb: {  	[sflag:s19] =	ssyncset.done $0x0  }
0xfc: {  	s13 =	rddreg [dreg:$0xb];
	[sflag:s19] =	ssyncadd.s32 $0xFFFFD800  }
0xfd: {  	[tilespmem:s12], [sflag:$0x2] =	stream.linear.gather [hbm4b:s13+s12], $0x50, $0x38;
	[tilespmem:$0x1B900] =	vst v63  }
0xfe: {  	_ =	swait.ge [sflag:s19], $0x50  }
0xff: {  	[sflag:s19] =	ssyncset.done $0x0  }
0x100: {  	[sflag:s19] =	ssyncadd.s32 $0xFFFFFFB0  }
0x101: {  	[tilespmem:s24], [sflag:$0x1] =	stream.indirect.gather [spmem:s23], $0x80, s12, s20, $0xb8;
	[tilespmem:$0x1B900] =	vst v63  }
0x102: {  	_ =	swait.ge [sflag:s3], $0x2800  }
0x103: {  	[sflag:s3] =	ssyncset.done $0x0  }
0x104: {  	s14 =	rddreg [dreg:$0x15];
	[sflag:s3] =	ssyncadd.s32 $0xFFFFD800  }
0x105: {  	[hbm4b:s14+s12] =	stream.linear.scatter [tilespmem:s24], [sflag:$0x2], $0x2800, $0x38;
	[tilespmem:$0x1B900] =	vst v63  }
0x106: {  	_ =	swait.ge [sflag:s19], $0x2800  }
0x107: {  	[sflag:s19] =	ssyncset.done $0x0  }
0x108: {  	s15 =	rddreg [dreg:$0xc];
	[sflag:s19] =	ssyncadd.s32 $0xFFFFD800  }
0x109: {  	[tilespmem:s12], [sflag:$0x2] =	stream.linear.gather [hbm4b:s15+s12], $0x50, $0x38;
	[tilespmem:$0x1B900] =	vst v63  }
0x10a: {  	_ =	swait.ge [sflag:s19], $0x50  }
0x10b: {  	[sflag:s19] =	ssyncset.done $0x0  }
0x10c: {  	[sflag:s19] =	ssyncadd.s32 $0xFFFFFFB0  }
0x10d: {  	[tilespmem:s24], [sflag:$0x1] =	stream.indirect.gather [spmem:s23], $0x80, s12, s20, $0xb8;
	[tilespmem:$0x1B900] =	vst v63  }
0x10e: {  	_ =	swait.ge [sflag:s3], $0x2800  }
0x10f: {  	[sflag:s3] =	ssyncset.done $0x0  }
0x110: {  	s16 =	rddreg [dreg:$0x16];
	[sflag:s3] =	ssyncadd.s32 $0xFFFFD800  }
0x111: {  	[hbm4b:s16+s12] =	stream.linear.scatter [tilespmem:s24], [sflag:$0x2], $0x2800, $0x38;
	[tilespmem:$0x1B900] =	vst v63  }
0x112: {  	_ =	swait.ge [sflag:s19], $0x2800  }
0x113: {  	[sflag:s19] =	ssyncset.done $0x0  }
0x114: {  	s17 =	rddreg [dreg:$0xd];
	[sflag:s19] =	ssyncadd.s32 $0xFFFFD800  }
0x115: {  	[tilespmem:s12], [sflag:$0x2] =	stream.linear.gather [hbm4b:s17+s12], $0x50, $0x38;
	[tilespmem:$0x1B900] =	vst v63  }
0x116: {  	_ =	swait.ge [sflag:s19], $0x50  }
0x117: {  	[sflag:s19] =	ssyncset.done $0x0  }
0x118: {  	[sflag:s19] =	ssyncadd.s32 $0xFFFFFFB0  }
0x119: {  	[tilespmem:s24], [sflag:$0x1] =	stream.indirect.gather [spmem:s23], $0x80, s12, s20, $0xb8;
	[tilespmem:$0x1B900] =	vst v63  }
0x11a: {  	_ =	swait.ge [sflag:s3], $0x2800  }
0x11b: {  	[sflag:s3] =	ssyncset.done $0x0  }
.Ltmp4:
0x11c: {  	s25 =	rddreg [dreg:$0x17];
	[sflag:s3] =	ssyncadd.s32 $0xFFFFD800;
	(pc) =	sbr.rel .LBB2_5-.Ltmp4, $4  }
0x11d: {  	[hbm4b:s25+s12] =	stream.linear.scatter [tilespmem:s24], [sflag:$0x2], $0x2800, $0x38;
	[tilespmem:$0x1B900] =	vst v63  }
0x11e: {  	_ =	swait.ge [sflag:s19], $0x2800  }
0x11f: {  	[sflag:s19] =	ssyncset.done $0x0  }
0x120: {  	[sflag:s19] =	ssyncadd.s32 $0xFFFFD800  }
.LBB2_6:
0x121: {  	_ =	sfence.sel $0x180000  }
0x122: {  	[bflag:$0x0] =	sbarrier.arrive $0xFFFF  }
0x123: {  	_ =	strace $0x9000004D  }
0x124: {  	s0 =	stileid.u32;
	[bflag:$0x2] =	sbarrier.arrive $0xFFFF  }
0x125: {  	p0 =	sne.s32 s0, $0x0;
	s0 =	rddreg [dreg:$0x3]  }
0x126: {  	s0 =	sadd.s32 @!p0 $0x100000, s0  }
0x127: {  	[sflag:s0] =	ssyncadd.tile.s32 @!p0 $0x1;
	_ =	shalt  }
.Lfunc_end2:
_tile_overlayer_lowered:
.L_overlay_start_2:
0x128: {  	(tag) =	ssettag $0x2  }
0x129: {  	s0 =	rddreg [dreg:$0x0];
	s2 =	stileid.u32  }
0x12a: {  	s1 =	rddreg [dreg:$0x1];
	p0 =	sne.s32 s2, $0x0  }
0x12b: {  	s3 =	rddreg [dreg:$0x2];
	[bflag:$0x3] =	sbarrier.arrive $0xFFFF;
	s2 =	simm.s32 @!p0 $0x1C02  }
0x12c: {  	[timem:s3], [sflag:s2] =	dma.local @!p0 [hbm:s0], s1  }
0x12d: {  	s0 =	simm.s32 @!p0 $0x2  }
0x12e: {  	_ =	swait.ge @!p0 [sflag:s0], s1  }
0x12f: {  	s1 =	ssub.s32 @!p0 $0x0, s1;
	[sflag:s0] =	ssyncset.done @!p0 $0x0  }
0x130: {  	[sflag:s0] =	ssyncadd.s32 @!p0 s1  }
0x131: {  	[bflag:$0x3] =	sbarrier.arrive $0xFFFF  }
0x132: {  	_ =	shalt  }

// kernel: kernel.7.cloned.1.call-start
scs
__scs_entry_jumppad:
0x0: {  	(pc) =	sbr.rel $0x88, $3  }
0x1: {  	(tag) =	ssettag $0x0;
	lr =	simm.s32 $0x1  }
0x2: {  	[smem:$0x3F97] =	sst lr;
	_ =	strace $0xD0000000  }
0x3: {  	_ = 	snop  }
0x4: {  	_ = 	snop  }
0x5: {  	_ = 	snop  }
0x6: {  	_ = 	snop  }
0x7: {  	_ = 	snop  }
__scs_overlays_trampoline_lowered:
0x8: {  	[smem:$0x3FA6] =	sst s0  }
0x9: {  	[smem:$0x3FA7] =	sst s1  }
0xa: {  	[smem:$0x3FA8] =	sst s2  }
0xb: {  	[smem:$0x3FA9] =	sst s3  }
0xc: {  	[smem:$0x3FAA] =	sst s4  }
0xd: {  	[smem:$0x3FAB] =	sst s5  }
0xe: {  	[smem:$0x3FAC] =	sst s6  }
0xf: {  	[smem:$0x3FAD] =	sst s7  }
0x10: {  	[smem:$0x3FAE] =	sst s8  }
0x11: {  	[smem:$0x3FAF] =	sst s9;
	s0 =	simm.s32 @!p0 $0x0  }
0x12: {  	s1 =	sld [smem:$0x3F95];
	s0 =	simm.s32 @p0 $0x1  }
0x13: {  	[smem:$0x3FB0] =	sst s0;
	s0 =	simm.s32 @!p1 $0x0  }
0x14: {  	s2 =	sld [smem:$0x3F94];
	s0 =	simm.s32 @p1 $0x1  }
0x15: {  	[smem:$0x3FB1] =	sst s0;
	s0 =	simm.s32 @!p2 $0x0  }
0x16: {  	s3 =	sld [smem:$0x3FDB];
	s0 =	simm.s32 @p2 $0x1  }
0x17: {  	s4 =	simm.s32 $0x1BF5;
	[smem:$0x3FB3] =	sst s0  }
0x18: {  	s0 =	sld [smem:$0x3F96];
	_ =	swait.ge [sflag:s4], $0x0  }
0x19: {  	s7 =	sld [smem:$0x3F97]  }
0x1a: {  	s8 =	sadd.s32 $0xFFFFE003, lr  }
0x1b: {  	s9 =	sadd.s32 $0xFFFFFEF7, lr;
	s5 =	simm.s32 $0xFFFFFFFF;
	p2 =	slt.u32 s8, $0xFFFFF086  }
0x1c: {  	p1 =	slt.u32 s9, $0xF7A;
	s5 =	simm.s32 @!p2 $0x0  }
0x1d: {  	s5 =	simm.s32 @p1 $0x1;
	p0 =	seq.s32 s7, s2  }
0x1e: {  	s7 =	smul.u32 @!p0 $0xF7A, s2;
	p2 =	seq.s32 @!p0 s5, $0x0  }
0x1f: {  	s9 =	smul.u32 $0xF7A, s1;
	s8 =	simm.s32 @!p0 $0x1BF5;
	p2 =	por !p2, p0  }
0x20: {  	[sflag:s8] =	ssyncset.s32 @!p0 $0xFFFFF086;
	s6 =	sadd.s32 @!p0 s3, s7;
	s7 =	simm.s32 @!p0 $0x108  }
0x21: {  	s3 =	sadd.s32 s3, s9;
	s6 =	sadd.s32 @!p0 $0x88, s6;
	s7 =	simm.s32 @p2 $0x1082  }
0x22: {  	[simem:s7], [sflag:s8] =	dma.local @!p0 [hbm:s6], $0xF7A  }
0x23: {  	s9 =	sor.u32 $0xD0000000, s2;
	s6 =	simm.s32 $0x108;
	_ =	swait.ge @!p0 [sflag:s8], $0x0  }
0x24: {  	s3 =	sadd.s32 $0x88, s3;
	s6 =	simm.s32 @!p1 $0x1082;
	[sflag:s4] =	ssyncset.s32 $0xFFFFF086  }
0x25: {  	[simem:s6], [sflag:s4] =	dma.local [hbm:s3], $0xF7A  }
0x26: {  	[smem:$0x3F97] =	sst s1;
	(tag) =	ssettag s2;
	_ =	strace s9  }
0x27: {  	s1 =	sld [smem:$0x3FA7]  }
0x28: {  	s2 =	sld [smem:$0x3FA8]  }
0x29: {  	s4 =	sld [smem:$0x3FAA]  }
0x2a: {  	p0 =	seq.s32 s5, $0x0;
	s5 =	sld [smem:$0x3FAB]  }
0x2b: {  	s6 =	sld [smem:$0x3FAC]  }
0x2c: {  	s7 =	sld [smem:$0x3FAD]  }
0x2d: {  	s3 =	simm.s32 $0x108;
	s8 =	sld [smem:$0x3FAE]  }
0x2e: {  	s3 =	simm.s32 @!p0 $0x1082;
	s9 =	sld [smem:$0x3FAF]  }
0x2f: {  	lr =	sadd.s32 s0, s3;
	s0 =	sld [smem:$0x3FA6]  }
0x30: {  	s3 =	sld [smem:$0x3FA9]  }
0x31: {  	[smem:$0x3FB2] =	sst s10  }
0x32: {  	s10 =	sld [smem:$0x3FB0];
	_ =	sdelay $0x3  }
0x33: {  	p0 =	seq.s32 s10, $0x1;
	s10 =	sld [smem:$0x3FB2];
	_ =	sdelay $0x3  }
0x34: {  	[smem:$0x3FB2] =	sst s10  }
0x35: {  	s10 =	sld [smem:$0x3FB1];
	_ =	sdelay $0x3  }
0x36: {  	p1 =	seq.s32 s10, $0x1;
	s10 =	sld [smem:$0x3FB2];
	_ =	sdelay $0x3  }
0x37: {  	[smem:$0x3FB2] =	sst s10  }
0x38: {  	s10 =	sld [smem:$0x3FB3]  }
0x39: {  	_ = 	snop;
	(pc) =	sbr.ind lr, $3  }
0x3a: {  	_ = 	snop  }
0x3b: {  	_ = 	snop  }
0x3c: {  	p2 =	seq.s32 s10, $0x1;
	s10 =	sld [smem:$0x3FB2]  }
0x3d: {  	_ =	shalt  }
0x3e: {  	_ =	shalt  }
0x3f: {  	_ =	shalt  }
0x40: {  	_ =	shalt  }
0x41: {  	_ =	shalt  }
0x42: {  	_ =	shalt  }
0x43: {  	_ =	shalt  }
0x44: {  	_ =	shalt  }
0x45: {  	_ =	shalt  }
0x46: {  	_ =	shalt  }
0x47: {  	_ =	shalt  }
0x48: {  	_ =	shalt  }
0x49: {  	_ =	shalt  }
0x4a: {  	_ =	shalt  }
0x4b: {  	_ =	shalt  }
0x4c: {  	_ =	shalt  }
0x4d: {  	_ =	shalt  }
0x4e: {  	_ =	shalt  }
0x4f: {  	_ =	shalt  }
0x50: {  	_ =	shalt  }
0x51: {  	_ =	shalt  }
0x52: {  	_ =	shalt  }
0x53: {  	_ =	shalt  }
0x54: {  	_ =	shalt  }
0x55: {  	_ =	shalt  }
0x56: {  	_ =	shalt  }
0x57: {  	_ =	shalt  }
0x58: {  	_ =	shalt  }
0x59: {  	_ =	shalt  }
0x5a: {  	_ =	shalt  }
0x5b: {  	_ =	shalt  }
0x5c: {  	_ =	shalt  }
0x5d: {  	_ =	shalt  }
0x5e: {  	_ =	shalt  }
0x5f: {  	_ =	shalt  }
0x60: {  	_ =	shalt  }
0x61: {  	_ =	shalt  }
0x62: {  	_ =	shalt  }
0x63: {  	_ =	shalt  }
0x64: {  	_ =	shalt  }
0x65: {  	_ =	shalt  }
0x66: {  	_ =	shalt  }
0x67: {  	_ =	shalt  }
0x68: {  	_ =	shalt  }
0x69: {  	_ =	shalt  }
0x6a: {  	_ =	shalt  }
0x6b: {  	_ =	shalt  }
0x6c: {  	_ =	shalt  }
0x6d: {  	_ =	shalt  }
0x6e: {  	_ =	shalt  }
0x6f: {  	_ =	shalt  }
0x70: {  	_ =	shalt  }
0x71: {  	_ =	shalt  }
0x72: {  	_ =	shalt  }
0x73: {  	_ =	shalt  }
0x74: {  	_ =	shalt  }
0x75: {  	_ =	shalt  }
0x76: {  	_ =	shalt  }
0x77: {  	_ =	shalt  }
0x78: {  	_ =	shalt  }
0x79: {  	_ =	shalt  }
0x7a: {  	_ =	shalt  }
0x7b: {  	_ =	shalt  }
0x7c: {  	_ =	shalt  }
0x7d: {  	_ =	shalt  }
0x7e: {  	_ =	shalt  }
0x7f: {  	_ =	shalt  }
0x80: {  	_ =	shalt  }
0x81: {  	_ =	shalt  }
0x82: {  	_ =	shalt  }
0x83: {  	_ =	shalt  }
0x84: {  	_ =	shalt  }
0x85: {  	_ =	shalt  }
0x86: {  	_ =	shalt  }
0x87: {  	_ =	shalt  }
.Lfunc_end0:
.L_simem_size_0:
called_computation.1_lowered:
.L_overlay_start_0:
0x88: {  	s2 =	sld [smem:$0x3FD9]  }
0x89: {  	s3 =	sld [smem:$0x3FFE];
	_ =	sdelay $0x1  }
0x8a: {  	s1 =	srdreg.scid  }
0x8b: {  	s0 =	sand.u32 $0x1, s1  }
0x8c: {  	s14 =	sshll.u32 s0, $0xA;
	s2 =	sadd.s32 s3, s2  }
0x8d: {  	s2 =	sadd.s32 s2, s14  }
0x8e: {  	[smem:$0x3FBE] =	sst s2  }
0x8f: {  	_ = 	snop  }
0x90: {  	s2 =	sld [smem:$0x3FD0];
	_ =	sdelay $0x2  }
0x91: {  	s15 =	simm.s32 $0xB;
	s4 =	simm.s32 $0x10  }
0x92: {  	[smem:s4], [sflag:s15] =	dma.local [hbm:s2], $0x1  }
0x93: {  	_ =	swait.eq [sflag:s15], $0x1  }
0x94: {  	[sflag:s15] =	ssyncset.done $0x0  }
0x95: {  	s16 =	sld [smem:$0x10];
	[sflag:s15] =	ssyncadd.s32 $0xFFFFFFFF  }
0x96: {  	s17 =	sld [smem:$0x11];
	(tm) =	ssettm $0x1  }
0x97: {  	s18 =	sld [smem:$0x3FFB];
	_ =	sdelay $0x3  }
0x98: {  	_ =	strace s18  }
0x99: {  	s4 =	sld [smem:$0x3FFC];
	_ =	sdelay $0x3  }
0x9a: {  	_ =	strace s4  }
0x9b: {  	s4 =	sld [smem:$0x3FFD];
	_ =	sdelay $0x3  }
0x9c: {  	_ =	strace s4  }
0x9d: {  	_ =	strace $0x8FFFFFFF  }
0x9e: {  	s19 =	sld [smem:$0x3FDB];
	_ =	sdelay $0x1  }
0x9f: {  	s5 =	simm.s32 $_scs_section_size  }
0xa0: {  	s6 =	simm.s32 $_size__tile_overlayer_lowered;
	s7 =	simm.s32 $_tile_overlayer_lowered  }
0xa1: {  	s22 =	simm.s32 $0x1BFF;
	s21 =	sshll.u32 s7, $0x1;
	s4 =	sadd.s32 s5, s19  }
0xa2: {  	s8 =	simm.s32 $0x0;
	s20 =	sshll.u32 s6, $0x1;
	s6 =	sadd.s32 s21, s4  }
0xa3: {  	[timem:s8], [sflag:s22] =	dma.local [hbm:s6], s20  }
0xa4: {  	_ =	swait.ge [sflag:s22], s20  }
0xa5: {  	s5 =	ssub.s32 $0x0, s20;
	[sflag:s22] =	ssyncset.done $0x0  }
0xa6: {  	[sflag:s22] =	ssyncadd.s32 s5;
	_ =	sdelay $0x1  }
0xa7: {  	s23 =	simm.s32 $0x1B8B  }
0xa8: {  	_ =	swait.ge [sflag:s23], $0x1  }
0xa9: {  	[sflag:s23] =	ssyncset.done $0x0  }
0xaa: {  	s25 =	simm.s32 $0x1B8E;
	s24 =	sld [smem:$0x3FFE];
	[sflag:s23] =	ssyncadd.s32 $0xFFFFFFFF  }
0xab: {  	s26 =	simm.s32 $execute0_lowered;
	[smem:$0x3FD2] =	sst s25  }
0xac: {  	s6 =	sshll.u32 s26, $0x1;
	_ =	strace $0x80000046;
	[dreg:$0x1] =	wrdreg $0xFFFFFFFF  }
0xad: {  	s28 =	simm.s32 $_size_execute0_lowered;
	s4 =	sadd.s32 s4, s6;
	[dreg:$0x0] =	wrdreg $0x0  }
0xae: {  	s6 =	sshll.u32 s28, $0x1;
	[dreg:$0x2] =	wrdreg s4  }
0xaf: {  	[dreg:$0x3] =	wrdreg s6  }
0xb0: {  	[dreg:$0x4] =	wrdreg $0xC0  }
0xb1: {  	_ =	task [dreg:s8], $0x5FFFF  }
0xb2: {  	[dreg:$0x1] =	wrdreg $0xFFFFFFFF  }
0xb3: {  	[dreg:$0x0] =	wrdreg $0x60  }
0xb4: {  	[dreg:$0x2] =	wrdreg s16  }
0xb5: {  	[dreg:$0x3] =	wrdreg s17  }
0xb6: {  	[dreg:$0x4] =	wrdreg s24  }
0xb7: {  	[dreg:$0x5] =	wrdreg $0x9  }
0xb8: {  	_ =	task.clear_ibuf [dreg:s8], $0x6FFFF;
	_ =	strace $0x90000046  }
0xb9: {  	s29 =	simm.s32 $0x9;
	_ =	strace $0x80000048  }
0xba: {  	_ =	swait.ge [sflag:s29], $0x1  }
0xbb: {  	[sflag:s29] =	ssyncadd.s32 $0xFFFFFFFF  }
0xbc: {  	_ =	strace $0x90000048  }
0xbd: {  	_ =	sfence  }
0xbe: {  	s30 =	sld [smem:$0x0];
	_ =	sdelay $0x2  }
0xbf: {  	s31 =	sshll.u32 s1, $0xD;
	s1 =	sshrl.u32 s1, $0x2  }
0xc0: {  	s3 =	sand.u32 $0x4000, s31;
	s1 =	sadd.s32 s1, s30  }
0xc1: {  	s0 =	sor.u32 s3, s0;
	s1 =	sshll.u32 s1, $0x11  }
0xc2: {  	s0 =	sor.u32 s1, s0  }
0xc3: {  	s0 =	sadd.s32 $0x8F2B, s0  }
0xc4: {  	[sflag:s0] =	ssyncadd.remote.s32 $0x1  }
0xc5: {  	_ =	sfence.sel $0xFFFF  }
0xc6: {  	[dreg:$0x0] =	wrdreg $0xFFFFFFFF;
	(pc) =	sbr.abs _section_cstart, $3  }
0xc7: {  	[dreg:$0x1] =	wrdreg $0xFFFFFFFF  }
0xc8: {  	_ =	task.clear_ibuf [dreg:s8], $0x2FFFF;
	_ =	strace $0x9FFFFFFF  }
0xc9: {  	(tm) =	ssettm $0x7FFFFFFF  }
tec
execute0_lowered:
.L_overlay_start_1:
0x0: {  	(tag) =	ssettag $0x1  }
0x1: {  	s1 =	rddreg [dreg:$0x0]  }
0x2: {  	s2 =	rddreg [dreg:$0x1]  }
0x3: {  	s7 =	rddreg [dreg:$0x2]  }
0x4: {  	s0 =	rddreg [dreg:$0x3]  }
0x5: {  	s4 =	simm.s32 $0x0;
	s5 =	srdreg.scid;
	s3 =	stileid.u32  }
0x6: {  	s12 =	simm.s32 $0x400;
	s13 =	simm.s32 $0x200;
	s14 =	simm.s32 $0xCC00  }
0x7: {  	s15 =	simm.s32 $0x1;
	s16 =	simm.s32 $0x2;
	s17 =	simm.s32 $0x0  }
0x8: {  	[smem:$0x7FF] =	sst s4;
	s8 =	sand.u32 $0x1, s5;
	s5 =	sadd.s32 $0xC600, s7  }
0x9: {  	s10 =	sshll.u32 s3, $0x1;
	s6 =	sadd.s32 $0x16400, s7;
	s9 =	ssub.s32 $0x2, s8  }
0xa: {  	s7 =	sadd.s32 $0x20200, s7;
	_ =	strace $0x80000047;
	s11 =	sshrl.u32 s9, $0x1  }
0xb: {  	s8 =	sor.u32 s8, s10;
	s10 =	simm.s32 $0x3;
	s9 =	ssub.s32 s9, s11  }
0xc: {  	s8 =	smul.u32 $0x2710, s8;
	s11 =	simm.s32 $0x190;
	s9 =	smax.u32 s9, $0x1  }
.LBB2_1:
0xd: {  	s18 =	simm.s32 $0x0  }
.LBB2_2:
0xe: {  	s19 =	smul.u32 $0x190, s18;
	_ =	sdelay $0x1  }
0xf: {  	s19 =	sadd.s32 s8, s19  }
0x10: {  	s20 =	sshrl.u32 s19, $0x3  }
0x11: {  	s22 =	simm.s32 $0x0;
	s21 =	sadd.s32 s5, s20  }
0x12: {  	[tilespmem:s22], [sflag:$0x3] =	stream.linear.gather [hbm4b:s21+s22], $0x190, $0x38;
	[tilespmem:$0x19400] =	vst v63  }
0x13: {  	_ =	swait.ge [sflag:s10], $0x190  }
0x14: {  	[sflag:s10] =	ssyncset.done $0x0  }
0x15: {  	[sflag:s10] =	ssyncadd.s32 $0xFFFFFE70  }
0x16: {  	[tilespmem:s12], [sflag:$0x1] =	stream.indirect.gather [hbm4b:s1+s11], $0x80, s22, s11, $0xb8;
	[tilespmem:$0x19400] =	vst v63  }
0x17: {  	s20 =	sadd.s32 s6, s20  }
0x18: {  	[tilespmem:s13], [sflag:$0x3] =	stream.linear.gather [hbm4b:s20+s22], $0x190, $0x38;
	[tilespmem:$0x19400] =	vst v63  }
0x19: {  	_ =	swait.ge [sflag:s10], $0x190  }
0x1a: {  	[sflag:s10] =	ssyncset.done $0x0  }
0x1b: {  	[sflag:s10] =	ssyncadd.s32 $0xFFFFFE70  }
0x1c: {  	[tilespmem:s14], [sflag:$0x2] =	stream.indirect.gather [hbm4b:s2+s11], $0x80, s13, s11, $0xb8;
	[tilespmem:$0x19400] =	vst v63  }
0x1d: {  	_ =	swait.ge [sflag:s15], $0xC800  }
0x1e: {  	[sflag:s15] =	ssyncset.done $0x0  }
0x1f: {  	[sflag:s15] =	ssyncadd.s32 $0xFFFF3800  }
0x20: {  	_ =	swait.ge [sflag:s16], $0xC800  }
0x21: {  	[sflag:s16] =	ssyncset.done $0x0  }
0x22: {  	s20 =	simm.s32 $0x0;
	[sflag:s16] =	ssyncadd.s32 $0xFFFF3800  }
0x23: {  	v7 =	vld [tilespmem:s20+$0xCC00]  }
0x24: {  	v11 =	vld [tilespmem:s20+$0xCC10]  }
0x25: {  	v5 =	vld [tilespmem:s20+$0xCC20]  }
0x26: {  	v4 =	vld [tilespmem:s20+$0xCC30]  }
0x27: {  	v3 =	vld [tilespmem:s20+$0xCC40]  }
0x28: {  	v2 =	vld [tilespmem:s20+$0xCC50]  }
0x29: {  	v1 =	vld [tilespmem:s20+$0xCC60]  }
0x2a: {  	v0 =	vld [tilespmem:s20+$0xCC70]  }
0x2b: {  	v12 =	vld [tilespmem:s20+$0x400]  }
0x2c: {  	v13 =	vld [tilespmem:s20+$0x410]  }
0x2d: {  	v10 =	vld [tilespmem:s20+$0x420]  }
0x2e: {  	v9 =	vld [tilespmem:s20+$0x430]  }
0x2f: {  	v8 =	vld [tilespmem:s20+$0x440]  }
0x30: {  	v6 =	vld [tilespmem:s20+$0x450];
	v12 =	vadd.f32 v7, v12  }
0x31: {  	s21 =	simm.s32 $0x200;
	v11 =	vadd.f32 v11, v13;
	v7 =	vld [tilespmem:s20+$0x460]  }
.LBB2_3:
0x32: {  	s22 =	sshra.s32 s21, $0x2;
	p0 =	sne.s32 s21, $0x31E00;
	[tilespmem:s20+$0x400] =	vst v12;
	v5 =	vadd.f32 v5, v10;
	v10 =	vld [tilespmem:s20+$0x470]  }
0x33: {  	v12 =	vld [tilespmem:s22+$0xCC00];
	[tilespmem:s20+$0x410] =	vst v11;
	v4 =	vadd.f32 v4, v9  }
0x34: {  	v11 =	vld [tilespmem:s22+$0xCC10];
	[tilespmem:s20+$0x420] =	vst v5;
	v3 =	vadd.f32 v3, v8  }
0x35: {  	v5 =	vld [tilespmem:s22+$0xCC20];
	[tilespmem:s20+$0x430] =	vst v4;
	v2 =	vadd.f32 v2, v6  }
0x36: {  	v4 =	vld [tilespmem:s22+$0xCC30];
	[tilespmem:s20+$0x440] =	vst v3;
	v1 =	vadd.f32 v1, v7  }
0x37: {  	v3 =	vld [tilespmem:s22+$0xCC40];
	[tilespmem:s20+$0x450] =	vst v2;
	v0 =	vadd.f32 v0, v10  }
0x38: {  	v2 =	vld [tilespmem:s22+$0xCC50];
	[tilespmem:s20+$0x460] =	vst v1  }
0x39: {  	v1 =	vld [tilespmem:s22+$0xCC60];
	[tilespmem:s20+$0x470] =	vst v0;
	s20 =	smov.u32 s22  }
0x3a: {  	v0 =	vld [tilespmem:s20+$0xCC70]  }
0x3b: {  	v6 =	vld [tilespmem:s20+$0x400]  }
0x3c: {  	v7 =	vld [tilespmem:s20+$0x410]  }
.Ltmp0:
0x3d: {  	v10 =	vld [tilespmem:s20+$0x420];
	(pc) =	sbr.rel @p0 .LBB2_3-.Ltmp0, $4  }
0x3e: {  	v9 =	vld [tilespmem:s20+$0x430]  }
0x3f: {  	v8 =	vld [tilespmem:s20+$0x440]  }
0x40: {  	v12 =	vadd.f32 v12, v6;
	v6 =	vld [tilespmem:s20+$0x450]  }
0x41: {  	s21 =	sadd.s32 $0x200, s21;
	v11 =	vadd.f32 v11, v7;
	v7 =	vld [tilespmem:s20+$0x460]  }
0x42: {  	[tilespmem:s20+$0x400] =	vst v12;
	v5 =	vadd.f32 v5, v10;
	v63 =	vld [tilespmem:s20+$0x470]  }
0x43: {  	[tilespmem:s20+$0x410] =	vst v11;
	v4 =	vadd.f32 v4, v9  }
0x44: {  	[tilespmem:s20+$0x420] =	vst v5;
	v3 =	vadd.f32 v3, v8  }
0x45: {  	[tilespmem:s20+$0x430] =	vst v4;
	v2 =	vadd.f32 v2, v6  }
0x46: {  	[tilespmem:s20+$0x440] =	vst v3;
	v1 =	vadd.f32 v1, v7  }
0x47: {  	s18 =	sadd.s32 $0x1, s18;
	[tilespmem:s20+$0x450] =	vst v2;
	v0 =	vadd.f32 v0, v63  }
0x48: {  	s19 =	sshll.u32 s19, $0x4;
	p0 =	sne.s32 s18, $0x19;
	[tilespmem:s20+$0x460] =	vst v1  }
.Ltmp1:
0x49: {  	s19 =	sadd.s32 s7, s19;
	[tilespmem:s20+$0x470] =	vst v0;
	(pc) =	sbr.rel @p0 .LBB2_2-.Ltmp1, $4  }
0x4a: {  	[hbm4b:s19+s4] =	stream.linear.scatter [tilespmem:s12], [sflag:$0x3], $0xC800, $0x38;
	[tilespmem:$0x19400] =	vst v63  }
0x4b: {  	_ =	swait.ge [sflag:s10], $0xC800  }
0x4c: {  	[sflag:s10] =	ssyncset.done $0x0  }
0x4d: {  	[sflag:s10] =	ssyncadd.s32 $0xFFFF3800  }
0x4e: {  	s17 =	sadd.s32 $0x1, s17  }
0x4f: {  	p0 =	sne.s32 s17, s9  }
.Ltmp2:
0x50: {  	_ = 	snop;
	(pc) =	sbr.rel @p0 .LBB2_1-.Ltmp2, $1  }
0x51: {  	_ =	sdelay $0x3  }
0x52: {  	_ =	sfence.sel $0x180000  }
0x53: {  	[bflag:$0x0] =	sbarrier.arrive $0xFFFF  }
0x54: {  	p0 =	sne.s32 s3, $0x0;
	_ =	strace $0x90000047  }
0x55: {  	s0 =	sadd.s32 @!p0 $0x100000, s0;
	[bflag:$0x2] =	sbarrier.arrive $0xFFFF  }
0x56: {  	[sflag:s0] =	ssyncadd.tile.s32 @!p0 $0x1;
	_ =	shalt  }
.Lfunc_end2:
_tile_overlayer_lowered:
.L_overlay_start_2:
0x57: {  	(tag) =	ssettag $0x2  }
0x58: {  	s0 =	rddreg [dreg:$0x0];
	s2 =	stileid.u32  }
0x59: {  	s1 =	rddreg [dreg:$0x1];
	p0 =	sne.s32 s2, $0x0  }
0x5a: {  	s3 =	rddreg [dreg:$0x2];
	[bflag:$0x3] =	sbarrier.arrive $0xFFFF;
	s2 =	simm.s32 @!p0 $0x1C03  }
0x5b: {  	[timem:s3], [sflag:s2] =	dma.local @!p0 [hbm:s0], s1  }
0x5c: {  	s0 =	simm.s32 @!p0 $0x3  }
0x5d: {  	_ =	swait.ge @!p0 [sflag:s0], s1  }
0x5e: {  	s1 =	ssub.s32 @!p0 $0x0, s1;
	[sflag:s0] =	ssyncset.done @!p0 $0x0  }
0x5f: {  	[sflag:s0] =	ssyncadd.s32 @!p0 s1  }
0x60: {  	[bflag:$0x3] =	sbarrier.arrive $0xFFFF  }
0x61: {  	_ =	shalt  }

// kernel: scatter_offload_async_start
scs
__scs_entry_jumppad:
0x0: {  	(pc) =	sbr.rel $0x88, $3  }
0x1: {  	(tag) =	ssettag $0x0;
	lr =	simm.s32 $0x1  }
0x2: {  	[smem:$0x3F97] =	sst lr;
	_ =	strace $0xD0000000  }
0x3: {  	_ = 	snop  }
0x4: {  	_ = 	snop  }
0x5: {  	_ = 	snop  }
0x6: {  	_ = 	snop  }
0x7: {  	_ = 	snop  }
__scs_overlays_trampoline_lowered:
0x8: {  	[smem:$0x3FA6] =	sst s0  }
0x9: {  	[smem:$0x3FA7] =	sst s1  }
0xa: {  	[smem:$0x3FA8] =	sst s2  }
0xb: {  	[smem:$0x3FA9] =	sst s3  }
0xc: {  	[smem:$0x3FAA] =	sst s4  }
0xd: {  	[smem:$0x3FAB] =	sst s5  }
0xe: {  	[smem:$0x3FAC] =	sst s6  }
0xf: {  	[smem:$0x3FAD] =	sst s7  }
0x10: {  	[smem:$0x3FAE] =	sst s8  }
0x11: {  	[smem:$0x3FAF] =	sst s9;
	s0 =	simm.s32 @!p0 $0x0  }
0x12: {  	s1 =	sld [smem:$0x3F95];
	s0 =	simm.s32 @p0 $0x1  }
0x13: {  	[smem:$0x3FB0] =	sst s0;
	s0 =	simm.s32 @!p1 $0x0  }
0x14: {  	s2 =	sld [smem:$0x3F94];
	s0 =	simm.s32 @p1 $0x1  }
0x15: {  	[smem:$0x3FB1] =	sst s0;
	s0 =	simm.s32 @!p2 $0x0  }
0x16: {  	s3 =	sld [smem:$0x3FDB];
	s0 =	simm.s32 @p2 $0x1  }
0x17: {  	s4 =	simm.s32 $0x1BF5;
	[smem:$0x3FB3] =	sst s0  }
0x18: {  	s0 =	sld [smem:$0x3F96];
	_ =	swait.ge [sflag:s4], $0x0  }
0x19: {  	s7 =	sld [smem:$0x3F97]  }
0x1a: {  	s8 =	sadd.s32 $0xFFFFE003, lr  }
0x1b: {  	s9 =	sadd.s32 $0xFFFFFEF7, lr;
	s5 =	simm.s32 $0xFFFFFFFF;
	p2 =	slt.u32 s8, $0xFFFFF086  }
0x1c: {  	p1 =	slt.u32 s9, $0xF7A;
	s5 =	simm.s32 @!p2 $0x0  }
0x1d: {  	s5 =	simm.s32 @p1 $0x1;
	p0 =	seq.s32 s7, s2  }
0x1e: {  	s7 =	smul.u32 @!p0 $0xF7A, s2;
	p2 =	seq.s32 @!p0 s5, $0x0  }
0x1f: {  	s9 =	smul.u32 $0xF7A, s1;
	s8 =	simm.s32 @!p0 $0x1BF5;
	p2 =	por !p2, p0  }
0x20: {  	[sflag:s8] =	ssyncset.s32 @!p0 $0xFFFFF086;
	s6 =	sadd.s32 @!p0 s3, s7;
	s7 =	simm.s32 @!p0 $0x108  }
0x21: {  	s3 =	sadd.s32 s3, s9;
	s6 =	sadd.s32 @!p0 $0x88, s6;
	s7 =	simm.s32 @p2 $0x1082  }
0x22: {  	[simem:s7], [sflag:s8] =	dma.local @!p0 [hbm:s6], $0xF7A  }
0x23: {  	s9 =	sor.u32 $0xD0000000, s2;
	s6 =	simm.s32 $0x108;
	_ =	swait.ge @!p0 [sflag:s8], $0x0  }
0x24: {  	s3 =	sadd.s32 $0x88, s3;
	s6 =	simm.s32 @!p1 $0x1082;
	[sflag:s4] =	ssyncset.s32 $0xFFFFF086  }
0x25: {  	[simem:s6], [sflag:s4] =	dma.local [hbm:s3], $0xF7A  }
0x26: {  	[smem:$0x3F97] =	sst s1;
	(tag) =	ssettag s2;
	_ =	strace s9  }
0x27: {  	s1 =	sld [smem:$0x3FA7]  }
0x28: {  	s2 =	sld [smem:$0x3FA8]  }
0x29: {  	s4 =	sld [smem:$0x3FAA]  }
0x2a: {  	p0 =	seq.s32 s5, $0x0;
	s5 =	sld [smem:$0x3FAB]  }
0x2b: {  	s6 =	sld [smem:$0x3FAC]  }
0x2c: {  	s7 =	sld [smem:$0x3FAD]  }
0x2d: {  	s3 =	simm.s32 $0x108;
	s8 =	sld [smem:$0x3FAE]  }
0x2e: {  	s3 =	simm.s32 @!p0 $0x1082;
	s9 =	sld [smem:$0x3FAF]  }
0x2f: {  	lr =	sadd.s32 s0, s3;
	s0 =	sld [smem:$0x3FA6]  }
0x30: {  	s3 =	sld [smem:$0x3FA9]  }
0x31: {  	[smem:$0x3FB2] =	sst s10  }
0x32: {  	s10 =	sld [smem:$0x3FB0];
	_ =	sdelay $0x3  }
0x33: {  	p0 =	seq.s32 s10, $0x1;
	s10 =	sld [smem:$0x3FB2];
	_ =	sdelay $0x3  }
0x34: {  	[smem:$0x3FB2] =	sst s10  }
0x35: {  	s10 =	sld [smem:$0x3FB1];
	_ =	sdelay $0x3  }
0x36: {  	p1 =	seq.s32 s10, $0x1;
	s10 =	sld [smem:$0x3FB2];
	_ =	sdelay $0x3  }
0x37: {  	[smem:$0x3FB2] =	sst s10  }
0x38: {  	s10 =	sld [smem:$0x3FB3]  }
0x39: {  	_ = 	snop;
	(pc) =	sbr.ind lr, $3  }
0x3a: {  	_ = 	snop  }
0x3b: {  	_ = 	snop  }
0x3c: {  	p2 =	seq.s32 s10, $0x1;
	s10 =	sld [smem:$0x3FB2]  }
0x3d: {  	_ =	shalt  }
0x3e: {  	_ =	shalt  }
0x3f: {  	_ =	shalt  }
0x40: {  	_ =	shalt  }
0x41: {  	_ =	shalt  }
0x42: {  	_ =	shalt  }
0x43: {  	_ =	shalt  }
0x44: {  	_ =	shalt  }
0x45: {  	_ =	shalt  }
0x46: {  	_ =	shalt  }
0x47: {  	_ =	shalt  }
0x48: {  	_ =	shalt  }
0x49: {  	_ =	shalt  }
0x4a: {  	_ =	shalt  }
0x4b: {  	_ =	shalt  }
0x4c: {  	_ =	shalt  }
0x4d: {  	_ =	shalt  }
0x4e: {  	_ =	shalt  }
0x4f: {  	_ =	shalt  }
0x50: {  	_ =	shalt  }
0x51: {  	_ =	shalt  }
0x52: {  	_ =	shalt  }
0x53: {  	_ =	shalt  }
0x54: {  	_ =	shalt  }
0x55: {  	_ =	shalt  }
0x56: {  	_ =	shalt  }
0x57: {  	_ =	shalt  }
0x58: {  	_ =	shalt  }
0x59: {  	_ =	shalt  }
0x5a: {  	_ =	shalt  }
0x5b: {  	_ =	shalt  }
0x5c: {  	_ =	shalt  }
0x5d: {  	_ =	shalt  }
0x5e: {  	_ =	shalt  }
0x5f: {  	_ =	shalt  }
0x60: {  	_ =	shalt  }
0x61: {  	_ =	shalt  }
0x62: {  	_ =	shalt  }
0x63: {  	_ =	shalt  }
0x64: {  	_ =	shalt  }
0x65: {  	_ =	shalt  }
0x66: {  	_ =	shalt  }
0x67: {  	_ =	shalt  }
0x68: {  	_ =	shalt  }
0x69: {  	_ =	shalt  }
0x6a: {  	_ =	shalt  }
0x6b: {  	_ =	shalt  }
0x6c: {  	_ =	shalt  }
0x6d: {  	_ =	shalt  }
0x6e: {  	_ =	shalt  }
0x6f: {  	_ =	shalt  }
0x70: {  	_ =	shalt  }
0x71: {  	_ =	shalt  }
0x72: {  	_ =	shalt  }
0x73: {  	_ =	shalt  }
0x74: {  	_ =	shalt  }
0x75: {  	_ =	shalt  }
0x76: {  	_ =	shalt  }
0x77: {  	_ =	shalt  }
0x78: {  	_ =	shalt  }
0x79: {  	_ =	shalt  }
0x7a: {  	_ =	shalt  }
0x7b: {  	_ =	shalt  }
0x7c: {  	_ =	shalt  }
0x7d: {  	_ =	shalt  }
0x7e: {  	_ =	shalt  }
0x7f: {  	_ =	shalt  }
0x80: {  	_ =	shalt  }
0x81: {  	_ =	shalt  }
0x82: {  	_ =	shalt  }
0x83: {  	_ =	shalt  }
0x84: {  	_ =	shalt  }
0x85: {  	_ =	shalt  }
0x86: {  	_ =	shalt  }
0x87: {  	_ =	shalt  }
.Lfunc_end0:
.L_simem_size_0:
called_computation_lowered:
.L_overlay_start_0:
0x88: {  	s0 =	sld [smem:$0x3FD9]  }
0x89: {  	s1 =	sld [smem:$0x3FFE];
	_ =	sdelay $0x3  }
0x8a: {  	s0 =	sadd.s32 s1, s0  }
0x8b: {  	[smem:$0x3FBE] =	sst s0  }
0x8c: {  	_ = 	snop  }
0x8d: {  	(tm) =	ssettm $0x1  }
0x8e: {  	s15 =	sld [smem:$0x3FFB];
	_ =	sdelay $0x3  }
0x8f: {  	_ =	strace s15  }
0x90: {  	s0 =	sld [smem:$0x3FFC];
	_ =	sdelay $0x3  }
0x91: {  	_ =	strace s0  }
0x92: {  	s0 =	sld [smem:$0x3FFD];
	_ =	sdelay $0x3  }
0x93: {  	_ =	strace s0  }
0x94: {  	_ =	strace $0x8FFFFFFF  }
0x95: {  	s16 =	sld [smem:$0x3FDB];
	_ =	sdelay $0x1  }
0x96: {  	s17 =	simm.s32 $_scs_section_size  }
0x97: {  	s2 =	simm.s32 $_size__tile_overlayer_lowered;
	s3 =	simm.s32 $_tile_overlayer_lowered  }
0x98: {  	s20 =	simm.s32 $0x1BFF;
	s19 =	sshll.u32 s3, $0x1;
	s0 =	sadd.s32 s17, s16  }
0x99: {  	s4 =	simm.s32 $0x0;
	s18 =	sshll.u32 s2, $0x1;
	s2 =	sadd.s32 s19, s0  }
0x9a: {  	[timem:s4], [sflag:s20] =	dma.local [hbm:s2], s18  }
0x9b: {  	_ =	swait.ge [sflag:s20], s18  }
0x9c: {  	s1 =	ssub.s32 $0x0, s18;
	[sflag:s20] =	ssyncset.done $0x0  }
0x9d: {  	[sflag:s20] =	ssyncadd.s32 s1;
	_ =	sdelay $0x1  }
0x9e: {  	s21 =	simm.s32 $0x1B8B  }
0x9f: {  	_ =	swait.ge [sflag:s21], $0x1  }
0xa0: {  	[sflag:s21] =	ssyncset.done $0x0  }
0xa1: {  	s23 =	simm.s32 $0x1B8E;
	s22 =	sld [smem:$0x3FFE];
	[sflag:s21] =	ssyncadd.s32 $0xFFFFFFFF  }
0xa2: {  	s24 =	simm.s32 $execute0_lowered;
	[smem:$0x3FD2] =	sst s23  }
0xa3: {  	s2 =	sshll.u32 s24, $0x1;
	_ =	strace $0x80000049;
	[dreg:$0x1] =	wrdreg $0xFFFFFFFF  }
0xa4: {  	s25 =	simm.s32 $_size_execute0_lowered;
	s0 =	sadd.s32 s0, s2;
	[dreg:$0x0] =	wrdreg $0x0  }
0xa5: {  	s2 =	sshll.u32 s25, $0x1;
	[dreg:$0x2] =	wrdreg s0  }
0xa6: {  	[dreg:$0x3] =	wrdreg s2  }
0xa7: {  	[dreg:$0x4] =	wrdreg $0xC0  }
0xa8: {  	_ =	task [dreg:s4], $0x5FFFF  }
0xa9: {  	[dreg:$0x1] =	wrdreg $0xFFFFFFFF  }
0xaa: {  	[dreg:$0x0] =	wrdreg $0x60  }
0xab: {  	[dreg:$0x2] =	wrdreg s22  }
0xac: {  	[dreg:$0x3] =	wrdreg $0x9  }
0xad: {  	_ =	task.clear_ibuf [dreg:s4], $0x4FFFF;
	_ =	strace $0x90000049  }
0xae: {  	s26 =	simm.s32 $0x9;
	_ =	strace $0x8000004B  }
0xaf: {  	_ =	swait.ge [sflag:s26], $0x1  }
0xb0: {  	[sflag:s26] =	ssyncadd.s32 $0xFFFFFFFF  }
0xb1: {  	_ =	strace $0x9000004B  }
0xb2: {  	_ =	sfence  }
0xb3: {  	s28 =	sld [smem:$0x0];
	_ =	sdelay $0x1  }
0xb4: {  	s29 =	srdreg.scid  }
0xb5: {  	s30 =	sshll.u32 s29, $0xD;
	s31 =	sshrl.u32 s29, $0x2  }
0xb6: {  	s1 =	sand.u32 $0x1, s29;
	s2 =	sand.u32 $0x4000, s30;
	s0 =	sadd.s32 s31, s28  }
0xb7: {  	s1 =	sor.u32 s2, s1;
	s0 =	sshll.u32 s0, $0x11  }
0xb8: {  	s0 =	sor.u32 s0, s1  }
0xb9: {  	s0 =	sadd.s32 $0x8F2B, s0  }
0xba: {  	[sflag:s0] =	ssyncadd.remote.s32 $0x1  }
0xbb: {  	_ =	sfence.sel $0xFFFF  }
0xbc: {  	[dreg:$0x0] =	wrdreg $0xFFFFFFFF;
	(pc) =	sbr.abs _section_cstart, $3  }
0xbd: {  	[dreg:$0x1] =	wrdreg $0xFFFFFFFF  }
0xbe: {  	_ =	task.clear_ibuf [dreg:s4], $0x2FFFF;
	_ =	strace $0x9FFFFFFF  }
0xbf: {  	(tm) =	ssettm $0x7FFFFFFF  }
tec
execute0_lowered:
.L_overlay_start_1:
0x0: {  	(tag) =	ssettag $0x1  }
0x1: {  	s0 =	rddreg [dreg:$0x0];
	_ =	strace $0x8000004A;
	s15 =	stileid.u32  }
0x2: {  	s2 =	simm.s32 $0x1;
	s1 =	smin.u32 s15, $0x8;
	s3 =	sshll.u32 s15, $0x1  }
0x3: {  	v1 =	vimm.s32 $0xFFFFFFFF;
	[sflag:s2] =	ssyncpa.u1 $0x0;
	s1 =	sadd.s32 s1, s3  }
0x4: {  	p0 =	slt.u32 s15, $0x8;
	[tilespmem:$0x10] =	vst v1;
	s4 =	smul.u32 $0x1F40, s1;
	s1 =	simm.s32 $0x5DC0  }
0x5: {  	v0 =	vimm.f32 $0.0e+00;
	[tilespmem:$0x20] =	vst v1;
	s1 =	simm.s32 @!p0 $0x3E80  }
0x6: {  	[tilespmem:$0x30] =	vst v0;
	s1 =	sadd.s32 s1, s4  }
0x7: {  	[tilespmem:$0x40] =	vst v0;
	s5 =	smin.u32 s1, $0x4E200  }
0x8: {  	s7 =	simm.s32 $0x2;
	s8 =	simm.s32 $0x8;
	[tilespmem:$0x50] =	vst v0;
	s9 =	ssub.s32 s5, s4  }
0x9: {  	s31 =	simm.s32 $0x9;
	s16 =	simm.s32 $0x0;
	[tilespmem:$0x60] =	vst v1;
	p0 =	sgt.s32 s9, $0x0  }
0xa: {  	s17 =	simm.s32 $0xF0;
	s18 =	simm.s32 $0xFFFFFFFF;
	[tilespmem:$0x70] =	vst v1;
	s9 =	simm.s32 @!p0 $0x0  }
0xb: {  	s19 =	simm.s32 $0xFFFFC280;
	s20 =	simm.s32 $0xFFFFFFFE;
	[tilespmem:$0x80] =	vst v1;
	s30 =	smulhi.u32 $0x10624DD3, s9  }
0xc: {  	s21 =	simm.s32 $0xF;
	s25 =	simm.s32 $0x0;
	s24 =	simm.s32 $0x0;
	v1 =	vimm.s32 $0x0;
	[tilespmem:$0xB0] =	vst v0  }
0xd: {  	s6 =	sadd.s32 $0x9E4200, s0;
	s15 =	sshllo.u32 s15, $0x1;
	[tilespmem:$0x90] =	vst v1;
	s10 =	sshrl.u32 s30, $0x9  }
0xe: {  	[tilespmem:$0xA0] =	vst v1;
	[sflag:s7] =	ssyncpa.u1 $0x0;
	s7 =	simm.s32 $0x7;
	s11 =	smul.u32 $0x1F40, s10  }
.Ltmp0:
0xf: {  	s13 =	sor.u32 $0x80, s3;
	[sflag:s7] =	ssyncpa.u1 $0x0;
	(pc) =	sbr.rel .LBB2_1-.Ltmp0, $4  }
0x10: {  	s14 =	sor.u32 $0x81, s3;
	[sflag:s8] =	ssyncpa.u1 $0x0;
	p0 =	sne.s32 s9, s11  }
0x11: {  	s23 =	smov.u32 s4;
	s1 =	sadd.s32 $0x2600, s0;
	s2 =	simm.s32 @!p0 $0x0  }
0x12: {  	vm0 =	vmmov $0xffff;
	v2 =	vlaneseq.u32;
	[sflag:s31] =	ssyncpa.u1 $0x0;
	s9 =	sadd.s32 $0x9EE000, s0;
	s10 =	sadd.s32 s2, s10  }
0x13: {  	vm1 =	vmxor vm1, vm1;
	vm2 =	vmmov $0x1;
	vm3 =	vcmask $0x3F3C;
	p0 =	por $0x0, $0x0;
	s11 =	sadd.s32 $0x1, s10;
	s12 =	sadd.s32 $0x2, s10  }
.LBB2_9:
0x14: {  	p1 =	slt.u32 s24, $0x3  }
0x15: {  	s0 =	simm.s32 @!p1 $0x2  }
0x16: {  	_ =	swait.ge @!p1 [sflag:s0], $0x1F40  }
0x17: {  	[sflag:s0] =	ssyncset.done @!p1 $0x0  }
0x18: {  	[sflag:s0] =	ssyncadd.s32 @!p1 $0xFFFFE0C0;
	s0 =	simm.s32 @!p1 $0x9  }
0x19: {  	_ =	swait.ge @!p1 [sflag:s0], $0x10  }
0x1a: {  	[sflag:s0] =	ssyncset.done @!p1 $0x0  }
0x1b: {  	[sflag:s0] =	ssyncadd.s32 @!p1 $0xFFFFFFF0;
	p1 =	sne.s32 s24, s12  }
.Ltmp1:
0x1c: {  	s2 =	sadd.s32 $0x1F40, s23;
	(pc) =	sbr.rel @!p1 .LBB2_10-.Ltmp1, $4  }
0x1d: {  	s22 =	smov.u32 s4;
	s31 =	sadd.s32 $0x1, s24;
	s17 =	sadd.s32 $0x1F40, s17  }
0x1e: {  	s18 =	sadd.s32 $0x1, s18;
	s25 =	smov.u32 s23;
	p2 =	slt.s32 s2, s5  }
0x1f: {  	p0 =	por !p0, !p0;
	s19 =	sadd.s32 $0x1F40, s19;
	s22 =	smov.u32 @p2 s2  }
0x20: {  	s20 =	sadd.s32 $0x1, s20;
	s23 =	smov.u32 s22;
	s24 =	smov.u32 s31  }
.LBB2_1:
0x21: {  	p1 =	sge.u32 s24, s10  }
0x22: {  	s0 =	smulhi.u32 @!p1 $0xAAAAAAAB, s24;
	_ =	sdelay $0x1  }
0x23: {  	s0 =	sshrl.u32 @!p1 s0, $0x1  }
0x24: {  	s0 =	smul.u32 @!p1 $0x3, s0;
	_ =	sdelay $0x1  }
0x25: {  	s0 =	ssub.s32 @!p1 s24, s0  }
0x26: {  	s0 =	smul.u32 @!p1 $0x7D00, s0;
	_ =	sdelay $0x1  }
0x27: {  	s2 =	sshrl.u32 @!p1 s23, $0x3;
	s0 =	sshrl.u32 @!p1 s0, $0x2  }
0x28: {  	s22 =	sand.u32 @!p1 $0x7, s23;
	s2 =	sadd.s32 @!p1 s6, s2;
	s0 =	sadd.s32 @!p1 $0x100, s0  }
0x29: {  	[tilespmem:s0], [sflag:$0x7] =	stream.linear.gather @!p1 [hbm4b:s2+s22], $0x1F40, $0x38;
	[tilespmem:$0x11A60] =	vst v63  }
0x2a: {  	s0 =	sadd.s32 $0xFFFFFFFF, s24  }
0x2b: {  	p1 =	sge.u32 s0, s10  }
.Ltmp2:
0x2c: {  	_ = 	snop;
	(pc) =	sbr.rel @p1 .LBB2_5-.Ltmp2, $1  }
0x2d: {  	_ =	sdelay $0x3  }
0x2e: {  	s2 =	smulhi.u32 $0xAAAAAAAB, s0;
	_ =	sdelay $0x1  }
0x2f: {  	s2 =	sshrl.u32 s2, $0x1  }
0x30: {  	s2 =	smul.u32 $0x3, s2;
	_ =	sdelay $0x1  }
0x31: {  	s2 =	ssub.s32 s0, s2  }
0x32: {  	s2 =	smul.u32 $0x7D00, s2  }
0x33: {  	_ =	swait.ge [sflag:s7], $0x1F40  }
0x34: {  	[sflag:s7] =	ssyncset.done $0x0;
	s2 =	sshrl.u32 s2, $0x2  }
0x35: {  	[sflag:s7] =	ssyncadd.s32 $0xFFFFE0C0;
	(ifvalue) =	ssetifvalue $0xFFFFFFFF;
	v3 =	vld.msk [tilespmem:s2+$0x100 ss:$0x1], $0xffff;
	_ =	sdelay $0x2  }
0x36: {  	s30 =	smulhi.u32 $0xAAAAAAAB, s18;
	p1 =	sne.s32 s24, $0x1  }
0x37: {  	v4 =	vimm.s32 @!p1 $0x0  }
0x38: {  	s2 =	sshrl.u32 s30, $0x1;
	v4 =	vperm.xlane @!p1 v3, v4  }
0x39: {  	s22 =	sshll.u32 s24, $0x4;
	s2 =	smul.u32 $0xFFFE8900, s2;
	vm4 =	vlt.u32 v3, $0x5000  }
0x3a: {  	s22 =	sand.u32 $0x10, s22;
	v3 =	vnsel vm4, $0xFFFFFFFE, v3;
	vm4 =	vlt.u32 @!p1 v4, $0x5000  }
0x3b: {  	s2 =	sshra.s32 s2, $0x2;
	[tilespmem:s22+$0x60] =	vst v3;
	v3 =	vnsel @!p1 vm4, $0xFFFFFFFE, v4  }
0x3c: {  	s28 =	sadd.s32 s2, s17;
	[tilespmem:$0x80] =	vst @!p1 v3  }
0x3d: {  	v3 =	vld.msk [tilespmem:s28+$0x0 ss:$0x1], $0xffff;
	_ =	sdelay $0x4  }
0x3e: {  	(xrf1) =	vunique.msk.u32 $0xffff, v3;
	_ =	sdelay $0xd  }
0x3f: {  	v4 =	vimm.s32 $0xFFFFFFFF;
	v5, _, _ =	vpop (xrf1)  }
0x40: {  	vm5 =	vne.s32 v3, v4;
	vm4 =	veq.s32 v5, v2  }
0x41: {  	vm6 =	vlt.u32 v3, $0x5000;
	vm4 =	vmand vm5, vm4  }
0x42: {  	vm4 =	vmand vm6, vm4  }
0x43: {  	v4 =	vnsel vm4, $0xFFFFFFFF, v3  }
0x44: {  	s31 =	sand.u32 $0x1, s0  }
0x45: {  	s0 =	simm.s32 $0x1F40;
	p1 =	seq.s32 s31, $0x1  }
0x46: {  	s0 =	simm.s32 @!p1 $0x0  }
0x47: {  	s26 =	sadd.s32 $0x7DF0, s0;
	(ifvalue) =	ssetifvalue $0xFFFFFFFF  }
0x48: {  	v3 =	vperm.xlane v3, v1;
	[tilespmem:s26], [sflag:$0x8] =	stream.indirect_vreg.gather [hbm4b:s1+s16], $0x1, v4, vm0, $0x4038;
	v4 =	vnsel vm6, $0xFFFFFFFE, v4;
	[tilespmem:$0x11A60] =	vst v63  }
0x49: {  	s2 =	simm.s32 $0x0;
	s22 =	sadd.s32 $0xFFFFFFF0, s28;
	[tilespmem:s28+$0x0] =	vst v4  }
.LBB2_3:
0x4a: {  	v4 =	vld.msk [tilespmem:s22+$0x0 ss:$0x1], $0xffff;
	s2 =	sadd.s32 $0x10, s2;
	v5 =	vmov v3;
	s28 =	smov.u32 s22  }
0x4b: {  	p1 =	slt.u32 s2, $0x1F30;
	_ =	sdelay $0x4  }
0x4c: {  	v3 =	vperm.xlane v4, v1;
	(xrf1) =	vunique.msk.u32 $0xffff, v4;
	_ =	sdelay $0xd  }
0x4d: {  	v6, _, _ =	vpop (xrf1)  }
0x4e: {  	vm5 =	vne.s32 v4, v5;
	vm4 =	veq.s32 v6, v2  }
0x4f: {  	vm6 =	vlt.u32 v4, $0x5000;
	vm4 =	vmand vm5, vm4  }
0x50: {  	vm4 =	vmand vm6, vm4  }
0x51: {  	v4 =	vnsel vm4, $0xFFFFFFFF, v4  }
.Ltmp3:
0x52: {  	v5 =	vnsel vm6, $0xFFFFFFFE, v4;
	(pc) =	sbr.rel @p1 .LBB2_3-.Ltmp3, $3  }
0x53: {  	_ =	sdelay $0x1  }
0x54: {  	s22 =	sadd.s32 $0xFFFFFFF0, s22;
	s26 =	sadd.s32 $0xFFFFFFF0, s26;
	(ifvalue) =	ssetifvalue $0xFFFFFFFF  }
0x55: {  	[tilespmem:s26], [sflag:$0x8] =	stream.indirect_vreg.gather [hbm4b:s1+s16], $0x1, v4, vm0, $0x4038;
	[tilespmem:s28+$0x0] =	vst v5  }
0x56: {  	s2 =	sshrl.u32 s25, $0x3  }
0x57: {  	s0 =	sadd.s32 $0x9D40, s0;
	s2 =	sadd.s32 s9, s2  }
0x58: {  	[tilespmem:s0], [sflag:$0x8] =	stream.linear.gather [hbm:s2], $0x1F40, $0x38;
	[tilespmem:$0x11A60] =	vst v63  }
.LBB2_5:
0x59: {  	p1 =	slt.u32 s24, $0x2  }
0x5a: {  	p2 =	sge.u32 @!p1 s24, s12  }
0x5b: {  	p1 =	por p1, p2  }
.Ltmp4:
0x5c: {  	_ = 	snop;
	(pc) =	sbr.rel @p1 .LBB2_9-.Ltmp4, $1  }
0x5d: {  	_ =	sdelay $0x3  }
0x5e: {  	s0 =	sadd.s32 $0xFFFFFFFE, s24  }
0x5f: {  	s2 =	smulhi.u32 $0xAAAAAAAB, s0;
	_ =	sdelay $0x1  }
0x60: {  	s2 =	sshrl.u32 s2, $0x1  }
0x61: {  	s2 =	smul.u32 $0x3, s2;
	_ =	sdelay $0x1  }
0x62: {  	s0 =	ssub.s32 s0, s2  }
0x63: {  	_ =	swait.ge [sflag:s8], $0x3E80;
	s0 =	smul.u32 $0x1F40, s0  }
0x64: {  	p1 =	sne.s32 s24, s11;
	[sflag:s8] =	ssyncset.done $0x0  }
0x65: {  	[sflag:s8] =	ssyncadd.s32 $0xFFFFC180;
	s2 =	sadd.s32 @!p1 $0x203F, s0  }
0x66: {  	[spmem:s14] =	stream.linear.scatter @!p1 [tilespmem:s2], [sflag:$0x1], $0x1, $0x38;
	[tilespmem:$0x11A60] =	vst v63  }
0x67: {  	s2 =	simm.s32 @!p1 $0x1  }
0x68: {  	_ =	swait.ge @!p1 [sflag:s2], $0x1  }
0x69: {  	s22 =	sshll.u32 s24, $0x4;
	[sflag:s2] =	ssyncset.done @!p1 $0x0  }
0x6a: {  	s25 =	sand.u32 $0x10, s22;
	[sflag:s2] =	ssyncadd.s32 @!p1 $0xFFFFFFFF  }
0x6b: {  	s2 =	sxor.u32 $0x10, s25;
	v4 =	vld [tilespmem:s25+$0x10]  }
0x6c: {  	v5 =	vld [tilespmem:s2+$0x60]  }
0x6d: {  	v3 =	vld [tilespmem:$0x80];
	_ =	sdelay $0x2  }
0x6e: {  	(v2sf) =	vpush v4, $0x0  }
0x6f: {  	(v2sf) =	vpush v5, $0x0  }
0x70: {  	(v2sf) =	vpush v3, $0x0;
	_ =	sdelay $0xc  }
0x71: {  	s22 =	spop (v2sf)  }
0x72: {  	s26 =	spop (v2sf)  }
0x73: {  	s28 =	spop (v2sf)  }
0x74: {  	p2 =	seq.s32 s22, s26;
	p3 =	seq.s32 s28, s22  }
0x75: {  	p3 =	por p2, p3  }
0x76: {  	s26 =	sand.u32 $0x1, s24;
	v4 =	vpsel p3, $0xFFFFFFFF, v4  }
0x77: {  	s29 =	smul.u32 $0x1F40, s26;
	[tilespmem:s25+$0x10] =	vst.msk $0x1, v4  }
0x78: {  	v4 =	vld [tilespmem:$0x30]  }
0x79: {  	v5 =	vld [tilespmem:s29+$0x9D40]  }
0x7a: {  	v6 =	vld [tilespmem:s25+$0x40];
	_ =	sdelay $0x3  }
0x7b: {  	vm4 =	vmmov vm1;
	v5 =	vadd.f32 v5, v4  }
0x7c: {  	vm5 =	vmmov vm2;
	vm4 =	vmmov @p2 vm2;
	s22 =	sshll.u32 s26, $0x4;
	v4 =	vadd.f32 v6, v4  }
0x7d: {  	s26 =	sor.u32 $0x11A40, s22;
	vm5 =	vmmov @p3 vm1;
	[tilespmem:s29+$0x9D40] =	vst.msk vm4, v5  }
0x7e: {  	[tilespmem:s26+$0x0] =	vst.msk vm5, v4  }
0x7f: {  	v4 =	vld [tilespmem:s29+$0x7DF0];
	_ =	sdelay $0x3  }
0x80: {  	v5 =	vimm.f32 $0.0e+00  }
0x81: {  	v4 =	vshift.insert v4, v5, s21  }
0x82: {  	s22 =	sor.u32 $0x40, s2  }
0x83: {  	[tilespmem:s22+$0x0] =	vst.msk $0x1, v4  }
0x84: {  	[tilespmem:s29+$0x7DFF] =	vst.msk $0x1, v5  }
0x85: {  	v4 =	vld [tilespmem:s0+$0x2030];
	_ =	sdelay $0x1  }
0x86: {  	s22 =	smulhi.u32 $0xAAAAAAAB, s20;
	s0 =	simm.s32 $0x1  }
0x87: {  	s0 =	simm.s32 @!p0 $0x0  }
0x88: {  	s22 =	sshrl.u32 s22, $0x1;
	s0 =	smul.u32 $0x7D00, s0  }
0x89: {  	s22 =	smul.u32 $0xFFFE8900, s22;
	v4 =	vshift.insert v4, v1, s21  }
0x8a: {  	s0 =	sshrl.u32 s0, $0x2  }
0x8b: {  	s22 =	sshra.s32 s22, $0x2;
	s30 =	sadd.s32 $0x9D40, s0;
	[tilespmem:s2+$0x10] =	vst.msk $0x1, v4  }
0x8c: {  	s22 =	sadd.s32 s22, s19;
	v6 =	vld [tilespmem:s30+$0x0]  }
0x8d: {  	v7 =	vld [tilespmem:s22+$0x0];
	_ =	sdelay $0x3  }
0x8e: {  	v5 =	vadd.f32 v6, v5  }
0x8f: {  	vm4 =	vne.s32 v7, $0xFFFFFFFF  }
0x90: {  	(xrf2) =	vadd.seg.scan.f32 vm4, v5;
	_ =	sdelay $0x3  }
0x91: {  	s31 =	sadd.s32 $0x5EC0, s0;
	v5 =	vperm.xlane v4, v1  }
0x92: {  	v6 =	vld [tilespmem:s31+$0x0]  }
0x93: {  	vm5 =	veq.s32 v7, v3;
	vm6 =	veq.s32 v7, v5  }
0x94: {  	vm7 =	vgt.u32 v7, $0xFFFFFFFD;
	vm6 =	vmor vm6, vm5  }
0x95: {  	vm6 =	vmor vm6, vm7  }
0x96: {  	v9 =	vld [tilespmem:$0xA0];
	v7 =	vsel vm6, $0xFFFFFFFF, v7  }
0x97: {  	v10 =	vld [tilespmem:$0x90];
	v6 =	vsel vm5, $0x0, v6;
	v8, _, _ =	vpop (xrf2)  }
0x98: {  	v6 =	vadd.f32 v8, v6  }
0x99: {  	s0 =	sadd.s32 $0xDBC0, s0  }
0x9a: {  	vm4 =	vmand vm4, vm3;
	[tilespmem:s0+$0x0] =	vst v6;
	(ifvalue) =	ssetifvalue $0xFFFFFFFF  }
0x9b: {  	vm6 =	veq.s32 v9, $0x1;
	[hbm4b:s1+s16] =	stream.indirect_vreg.scatter [tilespmem:s0], [sflag:$0x2], $0x1, v7, vm0, $0x4038;
	v7 =	vsel vm4, $0x0, v8;
	[tilespmem:$0x11A60] =	vst v63  }
0x9c: {  	s2 =	simm.s32 $0x0;
	s22 =	sadd.s32 $0x10, s22;
	vm4 =	vmor vm6, vm5;
	v6 =	vsel vm5, v8, v10;
	v7 =	vshift.insert v7, v0, s21  }
.LBB2_7:
0x9d: {  	v8 =	vld [tilespmem:s22+$0x0];
	s30 =	sadd.s32 $0x10, s30  }
0x9e: {  	s31 =	sadd.s32 $0x10, s31;
	v9 =	vld [tilespmem:s30+$0x0]  }
0x9f: {  	s2 =	sadd.s32 $0x10, s2;
	v10 =	vld [tilespmem:s31+$0x0]  }
0xa0: {  	p2 =	slt.u32 s2, $0x1F30;
	_ =	sdelay $0x2  }
0xa1: {  	v7 =	vadd.f32 v9, v7  }
0xa2: {  	vm5 =	vne.s32 v8, $0xFFFFFFFF  }
0xa3: {  	vm6 =	vmand vm5, vm3;
	(xrf2) =	vadd.seg.scan.f32 vm5, v7;
	_ =	sdelay $0x5  }
0xa4: {  	vm7 =	veq.s32 v8, v5;
	vm5 =	veq.s32 v8, v3  }
0xa5: {  	vm8 =	vgt.u32 v8, $0xFFFFFFFD;
	vm4 =	vmor vm4, vm5;
	vm7 =	vmor vm7, vm5  }
0xa6: {  	vm7 =	vmor vm7, vm8  }
0xa7: {  	v8 =	vsel vm7, $0xFFFFFFFF, v8  }
.Ltmp5:
0xa8: {  	v7 =	vsel vm5, $0x0, v10;
	v9, _, _ =	vpop (xrf2);
	(pc) =	sbr.rel @p2 .LBB2_7-.Ltmp5, $4  }
0xa9: {  	v6 =	vsel vm5, v9, v6;
	v10 =	vadd.f32 v9, v7;
	v7 =	vsel vm6, $0x0, v9  }
0xaa: {  	s0 =	sadd.s32 $0x10, s0;
	v7 =	vshift.insert v7, v0, s21  }
0xab: {  	s22 =	sadd.s32 $0x10, s22;
	[tilespmem:s0+$0x0] =	vst v10;
	(ifvalue) =	ssetifvalue $0xFFFFFFFF  }
0xac: {  	[hbm4b:s1+s16] =	stream.indirect_vreg.scatter [tilespmem:s0], [sflag:$0x2], $0x1, v8, vm0, $0x4038;
	[tilespmem:$0x11A60] =	vst v63  }
0xad: {  	v3 =	vld [tilespmem:s29+$0xFAF0];
	_ =	sdelay $0x4  }
0xae: {  	v3 =	vshift.insert v3, v0, s21  }
0xaf: {  	s0 =	simm.s32 $0x30  }
0xb0: {  	[tilespmem:s0+$0x0] =	vst.msk $0x1, v3  }
0xb1: {  	v3 =	vsel vm4, $0x1, v1;
	[tilespmem:$0x90] =	vst v6  }
0xb2: {  	s0 =	sadd.s32 @!p1 $0xFAFF, s29;
	[tilespmem:$0xA0] =	vst v3  }
0xb3: {  	[spmem:s15] =	stream.linear.scatter @!p1 [tilespmem:s0], [sflag:$0x1], $0x1, $0x38;
	[tilespmem:$0x11A60] =	vst v63  }
0xb4: {  	s0 =	simm.s32 @!p1 $0x1  }
0xb5: {  	v3 =	vmctz.xlane @!p1 vm4;
	_ =	swait.ge @!p1 [sflag:s0], $0x1  }
0xb6: {  	(v2sf) =	vpush @!p1 v4, $0x0  }
0xb7: {  	(v2sf) =	vpush @!p1 v3, $0x0;
	_ =	sdelay $0xd  }
0xb8: {  	s2 =	spop @!p1 (v2sf)  }
0xb9: {  	s22 =	spop @!p1 (v2sf)  }
0xba: {  	p2 =	sne.s32 @!p1 s28, s2;
	p3 =	slt.s32 @!p1 s22, $0xF  }
0xbb: {  	[sflag:s0] =	ssyncset.done @!p1 $0x0;
	p2 =	por p2, p1;
	p3 =	por !p3, p1  }
0xbc: {  	[sflag:s0] =	ssyncadd.s32 @!p1 $0xFFFFFFFF;
	v3 =	vimm.s32 @!p2 $0xFFFFFFFF;
	s22 =	simm.s32 @p3 $0xF  }
0xbd: {  	[tilespmem:$0x80] =	vst @!p2 v3;
	s2 =	sadd.s32 @!p1 $0x90, s22  }
0xbe: {  	[spmem:s3] =	stream.linear.scatter @!p1 [tilespmem:s2], [sflag:$0x1], $0x1, $0x38;
	[tilespmem:$0x11A60] =	vst v63  }
0xbf: {  	_ =	swait.ge @!p1 [sflag:s0], $0x1  }
0xc0: {  	[sflag:s0] =	ssyncset.done @!p1 $0x0  }
0xc1: {  	s2 =	simm.s32 @!p1 $0x80;
	[sflag:s0] =	ssyncadd.s32 @!p1 $0xFFFFFFFF  }
0xc2: {  	[spmem:s13] =	stream.linear.scatter @!p1 [tilespmem:s2], [sflag:$0x1], $0x1, $0x38;
	[tilespmem:$0x11A60] =	vst v63  }
0xc3: {  	_ =	swait.ge @!p1 [sflag:s0], $0x1  }
0xc4: {  	[sflag:s0] =	ssyncset.done @!p1 $0x0  }
0xc5: {  	[sflag:s0] =	ssyncadd.s32 @!p1 $0xFFFFFFFF;
	(ifvalue) =	ssetifvalue $0xFFFFFFFF;
	v3 =	vld [tilespmem:s25+$0x10];
	_ =	sdelay $0x3  }
.Ltmp6:
0xc6: {  	_ = 	snop;
	(pc) =	sbr.rel .LBB2_9-.Ltmp6, $3  }
0xc7: {  	_ =	sdelay $0x1  }
0xc8: {  	(ifvalue) =	ssetifvalue $0xFFFFFFFF  }
0xc9: {  	[hbm4b:s1+s16] =	stream.indirect_vreg.scatter [tilespmem:s26], [sflag:$0x9], $0x1, v3, vm0, $0x4038;
	[tilespmem:$0x11A60] =	vst v63  }
.LBB2_10:
0xca: {  	_ =	sfence.sel $0x180000  }
0xcb: {  	s0 =	simm.s32 $0x7;
	[bflag:$0x0] =	sbarrier.arrive $0xFFFF  }
0xcc: {  	s26 =	simm.s32 $0x8;
	[sflag:s0] =	ssyncpa.u1 $0x1  }
0xcd: {  	s28 =	simm.s32 $0x9;
	[sflag:s26] =	ssyncpa.u1 $0x1  }
0xce: {  	[sflag:s28] =	ssyncpa.u1 $0x1  }
0xcf: {  	_ =	sfence.stream.spmem  }
0xd0: {  	s29 =	simm.s32 $0x3;
	[bflag:$0x0] =	sbarrier.arrive $0xFFFF  }
0xd1: {  	s30 =	simm.s32 $0x4;
	[sflag:s29] =	ssyncpa.u1 $0x1  }
0xd2: {  	s31 =	simm.s32 $0x3C;
	s2 =	stileid.u32;
	[sflag:s30] =	ssyncpa.u1 $0x1  }
0xd3: {  	p0 =	sne.s32 s2, $0x0;
	[sflag:s31] =	ssyncpa.u1 $0x1  }
0xd4: {  	s0 =	simm.s32 @p0 $0x1;
	_ =	sfence @p0  }
0xd5: {  	[sflag:s0] =	ssyncpa.u1 @p0 $0x1;
	s0 =	simm.s32 @p0 $0x2  }
0xd6: {  	[sflag:s0] =	ssyncpa.u1 @p0 $0x1  }
0xd7: {  	_ =	strace @p0 $0x9000004A  }
0xd8: {  	[bflag:$0x2] =	sbarrier.arrive @p0 $0xFFFF  }
0xd9: {  	_ =	shalt @p0  }
.LBB2_11:
0xda: {  	_ =	sfence.stream.spmem;
	s0 =	simm.s32 $0x5  }
0xdb: {  	s2 =	simm.s32 $0x80;
	s3 =	simm.s32 $0xC0;
	[sflag:s0] =	ssyncpa.u1 $0x0  }
0xdc: {  	[tilespmem:s3], [sflag:$0x5] =	stream.linear.gather [spmem:s2], $0x20, $0x38;
	[tilespmem:$0x11A60] =	vst v63  }
0xdd: {  	s2 =	simm.s32 $0x0;
	s3 =	simm.s32 $0xE0  }
0xde: {  	[tilespmem:s3], [sflag:$0x5] =	stream.linear.gather [spmem:s2], $0x20, $0x38;
	[tilespmem:$0x11A60] =	vst v63  }
.Ltmp7:
0xdf: {  	_ = 	snop;
	(pc) =	sbr.rel .LBB2_12-.Ltmp7, $4  }
0xe0: {  	_ =	swait.ge [sflag:s0], $0x40  }
0xe1: {  	[sflag:s0] =	ssyncset.done $0x0  }
0xe2: {  	s31 =	simm.s32 $0x6;
	[sflag:s0] =	ssyncadd.s32 $0xFFFFFFC0  }
0xe3: {  	s4 =	simm.s32 $0x0;
	[sflag:s31] =	ssyncpa.u1 $0x0  }
.LBB2_17:
0xe4: {  	p0 =	sgt.u32 s5, $0x4FFF  }
0xe5: {  	s0 =	sshrl.u32 @!p0 s5, $0x3  }
0xe6: {  	s5 =	sand.u32 @!p0 $0x7, s5;
	s6 =	simm.s32 @!p0 $0xB0;
	s0 =	sadd.s32 @!p0 s1, s0  }
0xe7: {  	[tilespmem:s6], [sflag:$0x6] =	stream.linear.gather @!p0 [hbm4b:s0+s5], $0x1, $0x38;
	[tilespmem:$0x11A60] =	vst v63  }
0xe8: {  	s0 =	simm.s32 @!p0 $0x6  }
0xe9: {  	_ =	swait.ge @!p0 [sflag:s0], $0x1  }
0xea: {  	[sflag:s0] =	ssyncset.done @!p0 $0x0  }
0xeb: {  	[sflag:s0] =	ssyncadd.s32 @!p0 $0xFFFFFFFF  }
0xec: {  	v2 =	vmov @!p0 s4;
	v1 =	vld.msk @!p0 [tilespmem:$0xB0], $0x1;
	_ =	sdelay $0x3  }
0xed: {  	s0 =	simm.s32 @!p0 $0xE0  }
0xee: {  	[tilespmem:v2+s0+$0x0], v1 =	vst.idx.ret.add.f32.msk @!p0 $0x1, v1  }
0xef: {  	[tilespmem:s2+$0xC0] =	vst.msk $0x1, v0  }
0xf0: {  	v0 =	vld.msk [tilespmem:s4+$0xE0], $0x1;
	_ =	sdelay $0x4  }
0xf1: {  	[tilespmem:s2+$0xE0] =	vst.msk $0x1, v0;
	s2 =	sadd.s32 $0x1, s2  }
.LBB2_19:
0xf2: {  	s4 =	sadd.s32 $0x1, s4  }
0xf3: {  	p0 =	sne.s32 s4, $0x20  }
.Ltmp8:
0xf4: {  	_ = 	snop;
	(pc) =	sbr.rel @!p0 .LBB2_20-.Ltmp8, $1  }
0xf5: {  	_ =	sdelay $0x3  }
.LBB2_12:
0xf6: {  	v0 =	vld.msk [tilespmem:s4+$0xC0], $0x1;
	_ =	sdelay $0x4  }
0xf7: {  	(v2sf) =	vpush v0, $0x0;
	_ =	sdelay $0xe  }
0xf8: {  	s5 =	spop (v2sf)  }
0xf9: {  	p0 =	seq.s32 s5, $0xFFFFFFFF  }
.Ltmp9:
0xfa: {  	_ = 	snop;
	(pc) =	sbr.rel @p0 .LBB2_19-.Ltmp9, $1  }
0xfb: {  	_ =	sdelay $0x3  }
0xfc: {  	p0 =	slt.s32 s2, $0x1  }
.Ltmp10:
0xfd: {  	_ = 	snop;
	(pc) =	sbr.rel @p0 .LBB2_17-.Ltmp10, $1  }
0xfe: {  	_ =	sdelay $0x3  }
0xff: {  	s0 =	simm.s32 $0xC0;
	p0 =	por $0x0, $0x0  }
0x100: {  	v1 =	vld.msk @!p0 [tilespmem:s0+$0x0], $0x1;
	_ =	sdelay $0x4  }
0x101: {  	(v2sf) =	vpush @!p0 v1, $0x0;
	_ =	sdelay $0xd  }
0x102: {  	p2 =	sne.s32 s2, $0x1  }
.Ltmp11:
0x103: {  	s6 =	spop @!p0 (v2sf);
	(pc) =	sbr.rel @!p2 .LBB2_16-.Ltmp11, $4  }
0x104: {  	p1 =	seq.s32 @!p0 s5, s6  }
0x105: {  	s6 =	simm.s32 $0x0;
	p1 =	por !p1, p0  }
0x106: {  	s8 =	simm.s32 $0xFFFFFFFF;
	s6 =	simm.s32 @p1 $0xFFFFFFFF  }
0x107: {  	s7 =	simm.s32 $0x1;
	s6 =	smov.u32 @p0 s8  }
.LBB2_15:
0x108: {  	s8 =	smov.u32 s6;
	p0 =	sne.s32 s6, $0xFFFFFFFF  }
0x109: {  	s0 =	sadd.s32 $0x1, s0;
	s6 =	smov.u32 s7;
	s7 =	sadd.s32 $0x1, s7  }
0x10a: {  	p1 =	sne.s32 s2, s7;
	v1 =	vld.msk @!p0 [tilespmem:s0+$0x0], $0x1;
	_ =	sdelay $0x4  }
0x10b: {  	(v2sf) =	vpush @!p0 v1, $0x0;
	_ =	sdelay $0xe  }
.Ltmp12:
0x10c: {  	s9 =	spop @!p0 (v2sf);
	(pc) =	sbr.rel @p1 .LBB2_15-.Ltmp12, $4  }
0x10d: {  	p2 =	seq.s32 @!p0 s5, s9  }
0x10e: {  	p2 =	por !p2, p0  }
0x10f: {  	s6 =	simm.s32 @p2 $0xFFFFFFFF  }
0x110: {  	s6 =	smov.u32 @p0 s8  }
.LBB2_16:
0x111: {  	p0 =	sne.s32 s6, $0xFFFFFFFF  }
.Ltmp13:
0x112: {  	_ = 	snop;
	(pc) =	sbr.rel @!p0 .LBB2_17-.Ltmp13, $1  }
0x113: {  	_ =	sdelay $0x3  }
0x114: {  	v0 =	vld.msk [tilespmem:s4+$0xE0], $0x1;
	v1 =	vmov s6  }
.Ltmp14:
0x115: {  	_ = 	snop;
	(pc) =	sbr.rel .LBB2_19-.Ltmp14, $2  }
0x116: {  	_ =	sdelay $0x2  }
0x117: {  	[tilespmem:v1+s3+$0x0], v0 =	vst.idx.ret.add.f32.msk $0x1, v0  }
.LBB2_20:
0x118: {  	p0 =	slt.s32 s2, $0x1  }
.Ltmp15:
0x119: {  	_ = 	snop;
	(pc) =	sbr.rel @p0 .LBB2_24-.Ltmp15, $3  }
0x11a: {  	_ =	sdelay $0x1  }
0x11b: {  	s0 =	simm.s32 $0x6  }
0x11c: {  	s3 =	simm.s32 $0x0;
	[sflag:s0] =	ssyncpa.u1 $0x1  }
0x11d: {  	s0 =	simm.s32 $0xC0  }
0x11e: {  	v0 =	vld.msk [tilespmem:s0+$0x0], $0x1;
	_ =	sdelay $0x4  }
0x11f: {  	(v2sf) =	vpush v0, $0x0;
	_ =	sdelay $0xe  }
0x120: {  	s2 =	sadd.s32 $0xFFFFFFFF, s2;
	s4 =	spop (v2sf)  }
0x121: {  	p1 =	sne.s32 s2, $0x0;
	p0 =	sgt.u32 s4, $0x4FFF  }
.Ltmp16:
0x122: {  	s5 =	sshrl.u32 @!p0 s4, $0x3;
	(pc) =	sbr.rel @!p1 .LBB2_23-.Ltmp16, $4  }
0x123: {  	s0 =	simm.s32 $0xE0;
	s4 =	sand.u32 @!p0 $0x7, s4;
	s5 =	sadd.s32 @!p0 s1, s5  }
0x124: {  	[hbm4b:s5+s4] =	stream.linear.scatter @!p0 [tilespmem:s0], [sflag:$0x5], $0x1, $0x38;
	[tilespmem:$0x11A60] =	vst v63  }
0x125: {  	s5 =	simm.s32 $0x0  }
0x126: {  	s4 =	simm.s32 $0xC1;
	s5 =	simm.s32 @!p0 $0x4  }
.LBB2_22:
0x127: {  	v0 =	vld.msk [tilespmem:s4+$0x0], $0x1;
	s2 =	sadd.s32 $0xFFFFFFFF, s2;
	s3 =	sadd.s32 s3, s5  }
0x128: {  	p0 =	sne.s32 s2, $0x0;
	_ =	sdelay $0x3  }
0x129: {  	(v2sf) =	vpush v0, $0x0;
	_ =	sdelay $0xe  }
.Ltmp17:
0x12a: {  	s6 =	spop (v2sf);
	(pc) =	sbr.rel @p0 .LBB2_22-.Ltmp17, $4  }
0x12b: {  	s5 =	simm.s32 $0x0;
	p1 =	sgt.u32 s6, $0x4FFF  }
0x12c: {  	s0 =	sadd.s32 $0x1, s0;
	s5 =	simm.s32 @!p1 $0x4;
	s7 =	sshrl.u32 @!p1 s6, $0x3  }
0x12d: {  	s4 =	sadd.s32 $0x1, s4;
	s6 =	sand.u32 @!p1 $0x7, s6;
	s7 =	sadd.s32 @!p1 s1, s7  }
0x12e: {  	[hbm4b:s7+s6] =	stream.linear.scatter @!p1 [tilespmem:s0], [sflag:$0x5], $0x1, $0x38;
	[tilespmem:$0x11A60] =	vst v63  }
.LBB2_23:
0x12f: {  	s0 =	sadd.s32 s3, s5  }
0x130: {  	s3 =	sshrl.u32 s0, $0x2  }
.LBB2_24:
0x131: {  	s0 =	simm.s32 $0x5  }
0x132: {  	_ =	swait.ge [sflag:s0], s3  }
0x133: {  	s1 =	ssub.s32 $0x0, s3;
	[sflag:s0] =	ssyncset.done $0x0  }
0x134: {  	[sflag:s0] =	ssyncadd.s32 s1  }
0x135: {  	[sflag:s0] =	ssyncpa.u1 $0x1  }
0x136: {  	s29 =	simm.s32 $0x1;
	_ =	sfence  }
0x137: {  	s30 =	simm.s32 $0x2;
	[sflag:s29] =	ssyncpa.u1 $0x1  }
0x138: {  	[sflag:s30] =	ssyncpa.u1 $0x1  }
0x139: {  	_ =	strace $0x9000004A  }
0x13a: {  	[bflag:$0x2] =	sbarrier.arrive $0xFFFF  }
0x13b: {  	s31 =	rddreg [dreg:$0x1]  }
0x13c: {  	s0 =	sadd.s32 $0x100000, s31  }
0x13d: {  	[sflag:s0] =	ssyncadd.tile.s32 $0x1;
	_ =	shalt  }
.Lfunc_end2:
_tile_overlayer_lowered:
.L_overlay_start_2:
0x13e: {  	(tag) =	ssettag $0x2  }
0x13f: {  	s0 =	rddreg [dreg:$0x0];
	s2 =	stileid.u32  }
0x140: {  	s1 =	rddreg [dreg:$0x1];
	p0 =	sne.s32 s2, $0x0  }
0x141: {  	s3 =	rddreg [dreg:$0x2];
	[bflag:$0x3] =	sbarrier.arrive $0xFFFF;
	s2 =	simm.s32 @!p0 $0x1C01  }
0x142: {  	[timem:s3], [sflag:s2] =	dma.local @!p0 [hbm:s0], s1  }
0x143: {  	s0 =	simm.s32 @!p0 $0x1  }
0x144: {  	_ =	swait.ge @!p0 [sflag:s0], s1  }
0x145: {  	s1 =	ssub.s32 @!p0 $0x0, s1;
	[sflag:s0] =	ssyncset.done @!p0 $0x0  }
0x146: {  	[sflag:s0] =	ssyncadd.s32 @!p0 s1  }
0x147: {  	[bflag:$0x3] =	sbarrier.arrive $0xFFFF  }
0x148: {  	_ =	shalt  }

</sc_bundles>
